<compile_context>
chip_gen: v7x
topology: tpu7x:2x2x1
jax: 0.10.2.dev20260603
libtpu: 0.0.44.dev20260713+nightly
codegen_flags: <defaults>
</compile_context>

<pallas_src>
import jax
import jax.numpy as jnp
from jax import lax
from jax.experimental import pallas as pl
from jax.experimental.pallas import tpu as pltpu
from jax.experimental.pallas import tpu_sc as plsc

_RESOLUTION = 0.000244140625
_INV_RES = 1.0 / _RESOLUTION

_GX = 4096
_GY = 4096
_B = 16384
_NC = 2
_NS = 16
_NW = _NC * _NS
_BPW = _B // _NW
_L = 16
_CHUNK = 128
_NCH = _BPW // _CHUNK


def _grid_gather_body(xc_hbm, yc_hbm, gflat_hbm, out_hbm, xv, yv, idxv, resv, sem):
    wid = lax.axis_index("s") * _NC + lax.axis_index("c")
    base = wid * _BPW

    pltpu.sync_copy(xc_hbm.at[pl.ds(base, _BPW)], xv)
    pltpu.sync_copy(yc_hbm.at[pl.ds(base, _BPW)], yv)

    for i in range(_BPW // _L):
        xs = xv[pl.ds(i * _L, _L)]
        ys = yv[pl.ds(i * _L, _L)]
        ix = jnp.minimum(
            jnp.maximum((xs * _INV_RES).astype(jnp.int32), 0), _GX - 1)
        iy = jnp.minimum(
            jnp.maximum((ys * _INV_RES).astype(jnp.int32), 0), _GY - 1)
        flat = ix * _GY + iy
        idxv[i // (_CHUNK // _L), pl.ds((i % (_CHUNK // _L)) * _L, _L)] = flat

    copies = [
        pltpu.make_async_copy(gflat_hbm.at[idxv.at[j]], resv.at[j], sem)
        for j in range(_NCH)
    ]
    for cp in copies:
        cp.start()
    for cp in copies:
        cp.wait()

    for j in range(_NCH):
        pltpu.sync_copy(resv.at[j], out_hbm.at[pl.ds(base + j * _CHUNK, _CHUNK)])


@jax.jit
def kernel(x, grid):
    xc = x[:, 0]
    yc = x[:, 1]
    gflat = grid.reshape(-1)

    mesh = plsc.VectorSubcoreMesh(core_axis_name="c", subcore_axis_name="s")
    run = pl.kernel(
        _grid_gather_body,
        out_type=jax.ShapeDtypeStruct((_B,), jnp.float32),
        mesh=mesh,
        scratch_types=[
            pltpu.VMEM((_BPW,), jnp.float32),
            pltpu.VMEM((_BPW,), jnp.float32),
            pltpu.VMEM((_NCH, _CHUNK), jnp.int32),
            pltpu.VMEM((_NCH, _CHUNK), jnp.float32),
            pltpu.SemaphoreType.DMA,
        ],
    )
    return run(xc, yc, gflat)

# --- scband reference (transcript-rebuilt; emitter-appended) ---
"""Pipeline reference for scband-grid-classifier-57552561767016 (READ-ONLY COPY).

The authoritative reference and input builder live on the scoring server;
editing this copy changes nothing except your own understanding.
"""

import jax, jax.numpy as jnp
import numpy as np

XMIN = 0.0
YMIN = 0.0
RESOLUTION = 0.000244140625  # 1/4096 so rand() points in [0,1) map onto full grid


def setup_inputs(seed: int = 0) -> dict:
    key = jax.random.key(seed)
    k1, k2 = jax.random.split(key)
    x = jax.random.uniform(k1, (16384, 2), dtype=jnp.float32)
    grid = jax.random.normal(k2, (4096, 4096), dtype=jnp.float32)
    return {"x": x, "grid": grid}


def data_to_index(dat, xmin, ymin, resolution, gx, gy):
    ix = jnp.floor((dat[:, 0] - xmin) / resolution).astype(jnp.int32)
    iy = jnp.floor((dat[:, 1] - ymin) / resolution).astype(jnp.int32)
    ix = jnp.clip(ix, 0, gx - 1)
    iy = jnp.clip(iy, 0, gy - 1)
    return ix, iy


def reference(x, grid):
    # transform is identity -> untransform(dat) = dat
    dat = x if x.ndim > 1 else x[None, :]
    ix, iy = data_to_index(dat, XMIN, YMIN, RESOLUTION, grid.shape[0], grid.shape[1])
    # batched grid lookup: equivalent of torch loop cat of grid[xix, yix]
    out = grid[ix, iy]
    return out

if __name__ == "__main__":
    import jax
    _d = setup_inputs()
    print(jax.jit(kernel)(*tuple(_d.values())))

</pallas_src>

<mosaic_0001>
#map = affine_map<(d0, d1) -> (0)>
module attributes {stable_mosaic.version = 14 : i64} {
  func.func @_grid_gather_body(%arg0: i32, %arg1: i32, %arg2: memref<16384xf32, #tpu.memory_space<hbm>>, %arg3: memref<16384xf32, #tpu.memory_space<hbm>>, %arg4: memref<16777216xf32, #tpu.memory_space<hbm>>, %arg5: memref<16384xf32, #tpu.memory_space<hbm>>, %arg6: memref<512xf32, #tpu.memory_space<vmem>>, %arg7: memref<512xf32, #tpu.memory_space<vmem>>, %arg8: memref<4x128xi32, #tpu.memory_space<vmem>>, %arg9: memref<4x128xf32, #tpu.memory_space<vmem>>, %arg10: memref<!tpu.dma_semaphore, #tpu.memory_space<semaphore_mem>>) attributes {dimension_semantics = [#tpu.dimension_semantics<core_parallel>, #tpu.dimension_semantics<subcore_parallel>], iteration_bounds = array<i64: 2, 16>, scalar_prefetch = 0 : i64, scratch_operands = 5 : i64, tpu.core_type = #tpu.core_type<sc_vector_subcore>, window_params = [{transform_indices = #map}, {transform_indices = #map}, {transform_indices = #map}, {transform_indices = #map}]} {
    %mul3A = arith.constant 2 : i32
    %mul3A_0 = arith.muli %arg1, %mul3A : i32
    %add3A = arith.addi %mul3A_0, %arg0 : i32
    %mul3A_1 = arith.constant 512 : i32
    %mul3A_2 = arith.muli %add3A, %mul3A_1 : i32
    "tpu.region"() ({
      %run_scoped3A_1239 = tpu.sem_alloc : memref<!tpu.dma_semaphore, #tpu.memory_space<semaphore_mem>>
      %dma_start3A_1240 = tpu.memref_slice %arg2[%mul3A_2] : memref<16384xf32, #tpu.memory_space<hbm>> -> memref<512xf32, #tpu.memory_space<hbm>>
      %dma_start3A_1241 = tpu.memref_slice %arg2[%mul3A_2] : memref<16384xf32, #tpu.memory_space<hbm>> -> memref<512xf32, #tpu.memory_space<hbm>>
      tpu.enqueue_dma source(%dma_start3A_1241 : memref<512xf32, #tpu.memory_space<hbm>>) target(%arg6 : memref<512xf32, #tpu.memory_space<vmem>>) target_semaphore(%run_scoped3A_1239 : memref<!tpu.dma_semaphore, #tpu.memory_space<semaphore_mem>>)
      %dma_wait3A_1242 = tpu.memref_slice %arg2[%mul3A_2] : memref<16384xf32, #tpu.memory_space<hbm>> -> memref<512xf32, #tpu.memory_space<hbm>>
      %dma_wait3A_1243 = tpu.memref_slice %arg2[%mul3A_2] : memref<16384xf32, #tpu.memory_space<hbm>> -> memref<512xf32, #tpu.memory_space<hbm>>
      tpu.wait_dma2 semaphore(%run_scoped3A_1239 : memref<!tpu.dma_semaphore, #tpu.memory_space<semaphore_mem>>) src(%dma_wait3A_1243 : memref<512xf32, #tpu.memory_space<hbm>>) dst(%arg6 : memref<512xf32, #tpu.memory_space<vmem>>)
      tpu.yield
    }) : () -> ()
    "tpu.region"() ({
      %run_scoped3A_1239 = tpu.sem_alloc : memref<!tpu.dma_semaphore, #tpu.memory_space<semaphore_mem>>
      %dma_start3A_1240 = tpu.memref_slice %arg3[%mul3A_2] : memref<16384xf32, #tpu.memory_space<hbm>> -> memref<512xf32, #tpu.memory_space<hbm>>
      %dma_start3A_1241 = tpu.memref_slice %arg3[%mul3A_2] : memref<16384xf32, #tpu.memory_space<hbm>> -> memref<512xf32, #tpu.memory_space<hbm>>
      tpu.enqueue_dma source(%dma_start3A_1241 : memref<512xf32, #tpu.memory_space<hbm>>) target(%arg7 : memref<512xf32, #tpu.memory_space<vmem>>) target_semaphore(%run_scoped3A_1239 : memref<!tpu.dma_semaphore, #tpu.memory_space<semaphore_mem>>)
      %dma_wait3A_1242 = tpu.memref_slice %arg3[%mul3A_2] : memref<16384xf32, #tpu.memory_space<hbm>> -> memref<512xf32, #tpu.memory_space<hbm>>
      %dma_wait3A_1243 = tpu.memref_slice %arg3[%mul3A_2] : memref<16384xf32, #tpu.memory_space<hbm>> -> memref<512xf32, #tpu.memory_space<hbm>>
      tpu.wait_dma2 semaphore(%run_scoped3A_1239 : memref<!tpu.dma_semaphore, #tpu.memory_space<semaphore_mem>>) src(%dma_wait3A_1243 : memref<512xf32, #tpu.memory_space<hbm>>) dst(%arg7 : memref<512xf32, #tpu.memory_space<vmem>>)
      tpu.yield
    }) : () -> ()
    %get3A = arith.constant 0 : index
    %get3A_3 = tpu.vector_load %arg6[%get3A] {strides = array<i32>} : memref<512xf32, #tpu.memory_space<vmem>>, vector<16xf32>,
    %get3A_4 = vector.shape_cast %get3A_3 : vector<16xf32> to vector<16xf32>
    %get3A_5 = arith.constant 0 : index
    %get3A_6 = tpu.vector_load %arg7[%get3A_5] {strides = array<i32>} : memref<512xf32, #tpu.memory_space<vmem>>, vector<16xf32>,
    %get3A_7 = vector.shape_cast %get3A_6 : vector<16xf32> to vector<16xf32>
    %mul3A_8 = arith.constant 4.096000e+03 : f32
    %mul3A_9 = vector.broadcast %mul3A_8 : f32 to vector<16xf32>
    %mul3A_10 = arith.mulf %get3A_4, %mul3A_9 : vector<16xf32>
    %convert_element_type3A = arith.fptosi %mul3A_10 : vector<16xf32> to vector<16xi32>
    %max3A = arith.constant 0 : i32
    %max3A_11 = vector.broadcast %max3A : i32 to vector<16xi32>
    %max3A_12 = arith.maxsi %convert_element_type3A, %max3A_11 : vector<16xi32>
    %min3A = arith.constant 4095 : i32
    %min3A_13 = vector.broadcast %min3A : i32 to vector<16xi32>
    %min3A_14 = arith.minsi %max3A_12, %min3A_13 : vector<16xi32>
    %mul3A_15 = arith.constant 4.096000e+03 : f32
    %mul3A_16 = vector.broadcast %mul3A_15 : f32 to vector<16xf32>
    %mul3A_17 = arith.mulf %get3A_7, %mul3A_16 : vector<16xf32>
    %convert_element_type3A_18 = arith.fptosi %mul3A_17 : vector<16xf32> to vector<16xi32>
    %max3A_19 = arith.constant 0 : i32
    %max3A_20 = vector.broadcast %max3A_19 : i32 to vector<16xi32>
    %max3A_21 = arith.maxsi %convert_element_type3A_18, %max3A_20 : vector<16xi32>
    %min3A_22 = arith.constant 4095 : i32
    %min3A_23 = vector.broadcast %min3A_22 : i32 to vector<16xi32>
    %min3A_24 = arith.minsi %max3A_21, %min3A_23 : vector<16xi32>
    %mul3A_25 = arith.constant 4096 : i32
    %mul3A_26 = vector.broadcast %mul3A_25 : i32 to vector<16xi32>
    %mul3A_27 = arith.muli %min3A_14, %mul3A_26 : vector<16xi32>
    %add3A_28 = arith.addi %mul3A_27, %min3A_24 : vector<16xi32>
    %swap3A = arith.constant 0 : i32
    %swap3A_29 = arith.index_cast %swap3A : i32 to index
    %swap3A_30 = arith.constant 0 : index
    %swap3A_31 = tpu.vector_load %arg8[%swap3A_29, %swap3A_30] {strides = array<i32>} : memref<4x128xi32, #tpu.memory_space<vmem>>, vector<1x16xi32>,
    %swap3A_32 = vector.shape_cast %swap3A_31 : vector<1x16xi32> to vector<16xi32>
    %swap3A_33 = vector.shape_cast %add3A_28 : vector<16xi32> to vector<1x16xi32>
    tpu.vector_store %arg8[%swap3A_29, %swap3A_30], %swap3A_33 {strides = array<i32>} : memref<4x128xi32, #tpu.memory_space<vmem>>, vector<1x16xi32>,
    %get3A_34 = arith.constant 16 : index
    %get3A_35 = tpu.vector_load %arg6[%get3A_34] {strides = array<i32>} : memref<512xf32, #tpu.memory_space<vmem>>, vector<16xf32>,
    %get3A_36 = vector.shape_cast %get3A_35 : vector<16xf32> to vector<16xf32>
    %get3A_37 = arith.constant 16 : index
    %get3A_38 = tpu.vector_load %arg7[%get3A_37] {strides = array<i32>} : memref<512xf32, #tpu.memory_space<vmem>>, vector<16xf32>,
    %get3A_39 = vector.shape_cast %get3A_38 : vector<16xf32> to vector<16xf32>
    %mul3A_40 = arith.constant 4.096000e+03 : f32
    %mul3A_41 = vector.broadcast %mul3A_40 : f32 to vector<16xf32>
    %mul3A_42 = arith.mulf %get3A_36, %mul3A_41 : vector<16xf32>
    %convert_element_type3A_43 = arith.fptosi %mul3A_42 : vector<16xf32> to vector<16xi32>
    %max3A_44 = arith.constant 0 : i32
    %max3A_45 = vector.broadcast %max3A_44 : i32 to vector<16xi32>
    %max3A_46 = arith.maxsi %convert_element_type3A_43, %max3A_45 : vector<16xi32>
    %min3A_47 = arith.constant 4095 : i32
    %min3A_48 = vector.broadcast %min3A_47 : i32 to vector<16xi32>
    %min3A_49 = arith.minsi %max3A_46, %min3A_48 : vector<16xi32>
    %mul3A_50 = arith.constant 4.096000e+03 : f32
    %mul3A_51 = vector.broadcast %mul3A_50 : f32 to vector<16xf32>
    %mul3A_52 = arith.mulf %get3A_39, %mul3A_51 : vector<16xf32>
    %convert_element_type3A_53 = arith.fptosi %mul3A_52 : vector<16xf32> to vector<16xi32>
    %max3A_54 = arith.constant 0 : i32
    %max3A_55 = vector.broadcast %max3A_54 : i32 to vector<16xi32>
    %max3A_56 = arith.maxsi %convert_element_type3A_53, %max3A_55 : vector<16xi32>
    %min3A_57 = arith.constant 4095 : i32
    %min3A_58 = vector.broadcast %min3A_57 : i32 to vector<16xi32>
    %min3A_59 = arith.minsi %max3A_56, %min3A_58 : vector<16xi32>
    %mul3A_60 = arith.constant 4096 : i32
    %mul3A_61 = vector.broadcast %mul3A_60 : i32 to vector<16xi32>
    %mul3A_62 = arith.muli %min3A_49, %mul3A_61 : vector<16xi32>
    %add3A_63 = arith.addi %mul3A_62, %min3A_59 : vector<16xi32>
    %swap3A_64 = arith.constant 0 : i32
    %swap3A_65 = arith.index_cast %swap3A_64 : i32 to index
    %swap3A_66 = arith.constant 16 : index
    %swap3A_67 = tpu.vector_load %arg8[%swap3A_65, %swap3A_66] {strides = array<i32>} : memref<4x128xi32, #tpu.memory_space<vmem>>, vector<1x16xi32>,
    %swap3A_68 = vector.shape_cast %swap3A_67 : vector<1x16xi32> to vector<16xi32>
    %swap3A_69 = vector.shape_cast %add3A_63 : vector<16xi32> to vector<1x16xi32>
    tpu.vector_store %arg8[%swap3A_65, %swap3A_66], %swap3A_69 {strides = array<i32>} : memref<4x128xi32, #tpu.memory_space<vmem>>, vector<1x16xi32>,
    %get3A_70 = arith.constant 32 : index
    %get3A_71 = tpu.vector_load %arg6[%get3A_70] {strides = array<i32>} : memref<512xf32, #tpu.memory_space<vmem>>, vector<16xf32>,
    %get3A_72 = vector.shape_cast %get3A_71 : vector<16xf32> to vector<16xf32>
    %get3A_73 = arith.constant 32 : index
    %get3A_74 = tpu.vector_load %arg7[%get3A_73] {strides = array<i32>} : memref<512xf32, #tpu.memory_space<vmem>>, vector<16xf32>,
    %get3A_75 = vector.shape_cast %get3A_74 : vector<16xf32> to vector<16xf32>
    %mul3A_76 = arith.constant 4.096000e+03 : f32
    %mul3A_77 = vector.broadcast %mul3A_76 : f32 to vector<16xf32>
    %mul3A_78 = arith.mulf %get3A_72, %mul3A_77 : vector<16xf32>
    %convert_element_type3A_79 = arith.fptosi %mul3A_78 : vector<16xf32> to vector<16xi32>
    %max3A_80 = arith.constant 0 : i32
    %max3A_81 = vector.broadcast %max3A_80 : i32 to vector<16xi32>
    %max3A_82 = arith.maxsi %convert_element_type3A_79, %max3A_81 : vector<16xi32>
    %min3A_83 = arith.constant 4095 : i32
    %min3A_84 = vector.broadcast %min3A_83 : i32 to vector<16xi32>
    %min3A_85 = arith.minsi %max3A_82, %min3A_84 : vector<16xi32>
    %mul3A_86 = arith.constant 4.096000e+03 : f32
    %mul3A_87 = vector.broadcast %mul3A_86 : f32 to vector<16xf32>
    %mul3A_88 = arith.mulf %get3A_75, %mul3A_87 : vector<16xf32>
    %convert_element_type3A_89 = arith.fptosi %mul3A_88 : vector<16xf32> to vector<16xi32>
    %max3A_90 = arith.constant 0 : i32
    %max3A_91 = vector.broadcast %max3A_90 : i32 to vector<16xi32>
    %max3A_92 = arith.maxsi %convert_element_type3A_89, %max3A_91 : vector<16xi32>
    %min3A_93 = arith.constant 4095 : i32
    %min3A_94 = vector.broadcast %min3A_93 : i32 to vector<16xi32>
    %min3A_95 = arith.minsi %max3A_92, %min3A_94 : vector<16xi32>
    %mul3A_96 = arith.constant 4096 : i32
    %mul3A_97 = vector.broadcast %mul3A_96 : i32 to vector<16xi32>
    %mul3A_98 = arith.muli %min3A_85, %mul3A_97 : vector<16xi32>
    %add3A_99 = arith.addi %mul3A_98, %min3A_95 : vector<16xi32>
    %swap3A_100 = arith.constant 0 : i32
    %swap3A_101 = arith.index_cast %swap3A_100 : i32 to index
    %swap3A_102 = arith.constant 32 : index
    %swap3A_103 = tpu.vector_load %arg8[%swap3A_101, %swap3A_102] {strides = array<i32>} : memref<4x128xi32, #tpu.memory_space<vmem>>, vector<1x16xi32>,
    %swap3A_104 = vector.shape_cast %swap3A_103 : vector<1x16xi32> to vector<16xi32>
    %swap3A_105 = vector.shape_cast %add3A_99 : vector<16xi32> to vector<1x16xi32>
    tpu.vector_store %arg8[%swap3A_101, %swap3A_102], %swap3A_105 {strides = array<i32>} : memref<4x128xi32, #tpu.memory_space<vmem>>, vector<1x16xi32>,
    %get3A_106 = arith.constant 48 : index
    %get3A_107 = tpu.vector_load %arg6[%get3A_106] {strides = array<i32>} : memref<512xf32, #tpu.memory_space<vmem>>, vector<16xf32>,
    %get3A_108 = vector.shape_cast %get3A_107 : vector<16xf32> to vector<16xf32>
    %get3A_109 = arith.constant 48 : index
    %get3A_110 = tpu.vector_load %arg7[%get3A_109] {strides = array<i32>} : memref<512xf32, #tpu.memory_space<vmem>>, vector<16xf32>,
    %get3A_111 = vector.shape_cast %get3A_110 : vector<16xf32> to vector<16xf32>
    %mul3A_112 = arith.constant 4.096000e+03 : f32
    %mul3A_113 = vector.broadcast %mul3A_112 : f32 to vector<16xf32>
    %mul3A_114 = arith.mulf %get3A_108, %mul3A_113 : vector<16xf32>
    %convert_element_type3A_115 = arith.fptosi %mul3A_114 : vector<16xf32> to vector<16xi32>
    %max3A_116 = arith.constant 0 : i32
    %max3A_117 = vector.broadcast %max3A_116 : i32 to vector<16xi32>
    %max3A_118 = arith.maxsi %convert_element_type3A_115, %max3A_117 : vector<16xi32>
    %min3A_119 = arith.constant 4095 : i32
    %min3A_120 = vector.broadcast %min3A_119 : i32 to vector<16xi32>
    %min3A_121 = arith.minsi %max3A_118, %min3A_120 : vector<16xi32>
    %mul3A_122 = arith.constant 4.096000e+03 : f32
    %mul3A_123 = vector.broadcast %mul3A_122 : f32 to vector<16xf32>
    %mul3A_124 = arith.mulf %get3A_111, %mul3A_123 : vector<16xf32>
    %convert_element_type3A_125 = arith.fptosi %mul3A_124 : vector<16xf32> to vector<16xi32>
    %max3A_126 = arith.constant 0 : i32
    %max3A_127 = vector.broadcast %max3A_126 : i32 to vector<16xi32>
    %max3A_128 = arith.maxsi %convert_element_type3A_125, %max3A_127 : vector<16xi32>
    %min3A_129 = arith.constant 4095 : i32
    %min3A_130 = vector.broadcast %min3A_129 : i32 to vector<16xi32>
    %min3A_131 = arith.minsi %max3A_128, %min3A_130 : vector<16xi32>
    %mul3A_132 = arith.constant 4096 : i32
    %mul3A_133 = vector.broadcast %mul3A_132 : i32 to vector<16xi32>
    %mul3A_134 = arith.muli %min3A_121, %mul3A_133 : vector<16xi32>
    %add3A_135 = arith.addi %mul3A_134, %min3A_131 : vector<16xi32>
    %swap3A_136 = arith.constant 0 : i32
    %swap3A_137 = arith.index_cast %swap3A_136 : i32 to index
    %swap3A_138 = arith.constant 48 : index
    %swap3A_139 = tpu.vector_load %arg8[%swap3A_137, %swap3A_138] {strides = array<i32>} : memref<4x128xi32, #tpu.memory_space<vmem>>, vector<1x16xi32>,
    %swap3A_140 = vector.shape_cast %swap3A_139 : vector<1x16xi32> to vector<16xi32>
    %swap3A_141 = vector.shape_cast %add3A_135 : vector<16xi32> to vector<1x16xi32>
    tpu.vector_store %arg8[%swap3A_137, %swap3A_138], %swap3A_141 {strides = array<i32>} : memref<4x128xi32, #tpu.memory_space<vmem>>, vector<1x16xi32>,
    %get3A_142 = arith.constant 64 : index
    %get3A_143 = tpu.vector_load %arg6[%get3A_142] {strides = array<i32>} : memref<512xf32, #tpu.memory_space<vmem>>, vector<16xf32>,
    %get3A_144 = vector.shape_cast %get3A_143 : vector<16xf32> to vector<16xf32>
    %get3A_145 = arith.constant 64 : index
    %get3A_146 = tpu.vector_load %arg7[%get3A_145] {strides = array<i32>} : memref<512xf32, #tpu.memory_space<vmem>>, vector<16xf32>,
    %get3A_147 = vector.shape_cast %get3A_146 : vector<16xf32> to vector<16xf32>
    %mul3A_148 = arith.constant 4.096000e+03 : f32
    %mul3A_149 = vector.broadcast %mul3A_148 : f32 to vector<16xf32>
    %mul3A_150 = arith.mulf %get3A_144, %mul3A_149 : vector<16xf32>
    %convert_element_type3A_151 = arith.fptosi %mul3A_150 : vector<16xf32> to vector<16xi32>
    %max3A_152 = arith.constant 0 : i32
    %max3A_153 = vector.broadcast %max3A_152 : i32 to vector<16xi32>
    %max3A_154 = arith.maxsi %convert_element_type3A_151, %max3A_153 : vector<16xi32>
    %min3A_155 = arith.constant 4095 : i32
    %min3A_156 = vector.broadcast %min3A_155 : i32 to vector<16xi32>
    %min3A_157 = arith.minsi %max3A_154, %min3A_156 : vector<16xi32>
    %mul3A_158 = arith.constant 4.096000e+03 : f32
    %mul3A_159 = vector.broadcast %mul3A_158 : f32 to vector<16xf32>
    %mul3A_160 = arith.mulf %get3A_147, %mul3A_159 : vector<16xf32>
    %convert_element_type3A_161 = arith.fptosi %mul3A_160 : vector<16xf32> to vector<16xi32>
    %max3A_162 = arith.constant 0 : i32
    %max3A_163 = vector.broadcast %max3A_162 : i32 to vector<16xi32>
    %max3A_164 = arith.maxsi %convert_element_type3A_161, %max3A_163 : vector<16xi32>
    %min3A_165 = arith.constant 4095 : i32
    %min3A_166 = vector.broadcast %min3A_165 : i32 to vector<16xi32>
    %min3A_167 = arith.minsi %max3A_164, %min3A_166 : vector<16xi32>
    %mul3A_168 = arith.constant 4096 : i32
    %mul3A_169 = vector.broadcast %mul3A_168 : i32 to vector<16xi32>
    %mul3A_170 = arith.muli %min3A_157, %mul3A_169 : vector<16xi32>
    %add3A_171 = arith.addi %mul3A_170, %min3A_167 : vector<16xi32>
    %swap3A_172 = arith.constant 0 : i32
    %swap3A_173 = arith.index_cast %swap3A_172 : i32 to index
    %swap3A_174 = arith.constant 64 : index
    %swap3A_175 = tpu.vector_load %arg8[%swap3A_173, %swap3A_174] {strides = array<i32>} : memref<4x128xi32, #tpu.memory_space<vmem>>, vector<1x16xi32>,
    %swap3A_176 = vector.shape_cast %swap3A_175 : vector<1x16xi32> to vector<16xi32>
    %swap3A_177 = vector.shape_cast %add3A_171 : vector<16xi32> to vector<1x16xi32>
    tpu.vector_store %arg8[%swap3A_173, %swap3A_174], %swap3A_177 {strides = array<i32>} : memref<4x128xi32, #tpu.memory_space<vmem>>, vector<1x16xi32>,
    %get3A_178 = arith.constant 80 : index
    %get3A_179 = tpu.vector_load %arg6[%get3A_178] {strides = array<i32>} : memref<512xf32, #tpu.memory_space<vmem>>, vector<16xf32>,
    %get3A_180 = vector.shape_cast %get3A_179 : vector<16xf32> to vector<16xf32>
    %get3A_181 = arith.constant 80 : index
    %get3A_182 = tpu.vector_load %arg7[%get3A_181] {strides = array<i32>} : memref<512xf32, #tpu.memory_space<vmem>>, vector<16xf32>,
    %get3A_183 = vector.shape_cast %get3A_182 : vector<16xf32> to vector<16xf32>
    %mul3A_184 = arith.constant 4.096000e+03 : f32
    %mul3A_185 = vector.broadcast %mul3A_184 : f32 to vector<16xf32>
    %mul3A_186 = arith.mulf %get3A_180, %mul3A_185 : vector<16xf32>
    %convert_element_type3A_187 = arith.fptosi %mul3A_186 : vector<16xf32> to vector<16xi32>
    %max3A_188 = arith.constant 0 : i32
    %max3A_189 = vector.broadcast %max3A_188 : i32 to vector<16xi32>
    %max3A_190 = arith.maxsi %convert_element_type3A_187, %max3A_189 : vector<16xi32>
    %min3A_191 = arith.constant 4095 : i32
    %min3A_192 = vector.broadcast %min3A_191 : i32 to vector<16xi32>
    %min3A_193 = arith.minsi %max3A_190, %min3A_192 : vector<16xi32>
    %mul3A_194 = arith.constant 4.096000e+03 : f32
    %mul3A_195 = vector.broadcast %mul3A_194 : f32 to vector<16xf32>
    %mul3A_196 = arith.mulf %get3A_183, %mul3A_195 : vector<16xf32>
    %convert_element_type3A_197 = arith.fptosi %mul3A_196 : vector<16xf32> to vector<16xi32>
    %max3A_198 = arith.constant 0 : i32
    %max3A_199 = vector.broadcast %max3A_198 : i32 to vector<16xi32>
    %max3A_200 = arith.maxsi %convert_element_type3A_197, %max3A_199 : vector<16xi32>
    %min3A_201 = arith.constant 4095 : i32
    %min3A_202 = vector.broadcast %min3A_201 : i32 to vector<16xi32>
    %min3A_203 = arith.minsi %max3A_200, %min3A_202 : vector<16xi32>
    %mul3A_204 = arith.constant 4096 : i32
    %mul3A_205 = vector.broadcast %mul3A_204 : i32 to vector<16xi32>
    %mul3A_206 = arith.muli %min3A_193, %mul3A_205 : vector<16xi32>
    %add3A_207 = arith.addi %mul3A_206, %min3A_203 : vector<16xi32>
    %swap3A_208 = arith.constant 0 : i32
    %swap3A_209 = arith.index_cast %swap3A_208 : i32 to index
    %swap3A_210 = arith.constant 80 : index
    %swap3A_211 = tpu.vector_load %arg8[%swap3A_209, %swap3A_210] {strides = array<i32>} : memref<4x128xi32, #tpu.memory_space<vmem>>, vector<1x16xi32>,
    %swap3A_212 = vector.shape_cast %swap3A_211 : vector<1x16xi32> to vector<16xi32>
    %swap3A_213 = vector.shape_cast %add3A_207 : vector<16xi32> to vector<1x16xi32>
    tpu.vector_store %arg8[%swap3A_209, %swap3A_210], %swap3A_213 {strides = array<i32>} : memref<4x128xi32, #tpu.memory_space<vmem>>, vector<1x16xi32>,
    %get3A_214 = arith.constant 96 : index
    %get3A_215 = tpu.vector_load %arg6[%get3A_214] {strides = array<i32>} : memref<512xf32, #tpu.memory_space<vmem>>, vector<16xf32>,
    %get3A_216 = vector.shape_cast %get3A_215 : vector<16xf32> to vector<16xf32>
    %get3A_217 = arith.constant 96 : index
    %get3A_218 = tpu.vector_load %arg7[%get3A_217] {strides = array<i32>} : memref<512xf32, #tpu.memory_space<vmem>>, vector<16xf32>,
    %get3A_219 = vector.shape_cast %get3A_218 : vector<16xf32> to vector<16xf32>
    %mul3A_220 = arith.constant 4.096000e+03 : f32
    %mul3A_221 = vector.broadcast %mul3A_220 : f32 to vector<16xf32>
    %mul3A_222 = arith.mulf %get3A_216, %mul3A_221 : vector<16xf32>
    %convert_element_type3A_223 = arith.fptosi %mul3A_222 : vector<16xf32> to vector<16xi32>
    %max3A_224 = arith.constant 0 : i32
    %max3A_225 = vector.broadcast %max3A_224 : i32 to vector<16xi32>
    %max3A_226 = arith.maxsi %convert_element_type3A_223, %max3A_225 : vector<16xi32>
    %min3A_227 = arith.constant 4095 : i32
    %min3A_228 = vector.broadcast %min3A_227 : i32 to vector<16xi32>
    %min3A_229 = arith.minsi %max3A_226, %min3A_228 : vector<16xi32>
    %mul3A_230 = arith.constant 4.096000e+03 : f32
    %mul3A_231 = vector.broadcast %mul3A_230 : f32 to vector<16xf32>
    %mul3A_232 = arith.mulf %get3A_219, %mul3A_231 : vector<16xf32>
    %convert_element_type3A_233 = arith.fptosi %mul3A_232 : vector<16xf32> to vector<16xi32>
    %max3A_234 = arith.constant 0 : i32
    %max3A_235 = vector.broadcast %max3A_234 : i32 to vector<16xi32>
    %max3A_236 = arith.maxsi %convert_element_type3A_233, %max3A_235 : vector<16xi32>
    %min3A_237 = arith.constant 4095 : i32
    %min3A_238 = vector.broadcast %min3A_237 : i32 to vector<16xi32>
    %min3A_239 = arith.minsi %max3A_236, %min3A_238 : vector<16xi32>
    %mul3A_240 = arith.constant 4096 : i32
    %mul3A_241 = vector.broadcast %mul3A_240 : i32 to vector<16xi32>
    %mul3A_242 = arith.muli %min3A_229, %mul3A_241 : vector<16xi32>
    %add3A_243 = arith.addi %mul3A_242, %min3A_239 : vector<16xi32>
    %swap3A_244 = arith.constant 0 : i32
    %swap3A_245 = arith.index_cast %swap3A_244 : i32 to index
    %swap3A_246 = arith.constant 96 : index
    %swap3A_247 = tpu.vector_load %arg8[%swap3A_245, %swap3A_246] {strides = array<i32>} : memref<4x128xi32, #tpu.memory_space<vmem>>, vector<1x16xi32>,
    %swap3A_248 = vector.shape_cast %swap3A_247 : vector<1x16xi32> to vector<16xi32>
    %swap3A_249 = vector.shape_cast %add3A_243 : vector<16xi32> to vector<1x16xi32>
    tpu.vector_store %arg8[%swap3A_245, %swap3A_246], %swap3A_249 {strides = array<i32>} : memref<4x128xi32, #tpu.memory_space<vmem>>, vector<1x16xi32>,
    %get3A_250 = arith.constant 112 : index
    %get3A_251 = tpu.vector_load %arg6[%get3A_250] {strides = array<i32>} : memref<512xf32, #tpu.memory_space<vmem>>, vector<16xf32>,
    %get3A_252 = vector.shape_cast %get3A_251 : vector<16xf32> to vector<16xf32>
    %get3A_253 = arith.constant 112 : index
    %get3A_254 = tpu.vector_load %arg7[%get3A_253] {strides = array<i32>} : memref<512xf32, #tpu.memory_space<vmem>>, vector<16xf32>,
    %get3A_255 = vector.shape_cast %get3A_254 : vector<16xf32> to vector<16xf32>
    %mul3A_256 = arith.constant 4.096000e+03 : f32
    %mul3A_257 = vector.broadcast %mul3A_256 : f32 to vector<16xf32>
    %mul3A_258 = arith.mulf %get3A_252, %mul3A_257 : vector<16xf32>
    %convert_element_type3A_259 = arith.fptosi %mul3A_258 : vector<16xf32> to vector<16xi32>
    %max3A_260 = arith.constant 0 : i32
    %max3A_261 = vector.broadcast %max3A_260 : i32 to vector<16xi32>
    %max3A_262 = arith.maxsi %convert_element_type3A_259, %max3A_261 : vector<16xi32>
    %min3A_263 = arith.constant 4095 : i32
    %min3A_264 = vector.broadcast %min3A_263 : i32 to vector<16xi32>
    %min3A_265 = arith.minsi %max3A_262, %min3A_264 : vector<16xi32>
    %mul3A_266 = arith.constant 4.096000e+03 : f32
    %mul3A_267 = vector.broadcast %mul3A_266 : f32 to vector<16xf32>
    %mul3A_268 = arith.mulf %get3A_255, %mul3A_267 : vector<16xf32>
    %convert_element_type3A_269 = arith.fptosi %mul3A_268 : vector<16xf32> to vector<16xi32>
    %max3A_270 = arith.constant 0 : i32
    %max3A_271 = vector.broadcast %max3A_270 : i32 to vector<16xi32>
    %max3A_272 = arith.maxsi %convert_element_type3A_269, %max3A_271 : vector<16xi32>
    %min3A_273 = arith.constant 4095 : i32
    %min3A_274 = vector.broadcast %min3A_273 : i32 to vector<16xi32>
    %min3A_275 = arith.minsi %max3A_272, %min3A_274 : vector<16xi32>
    %mul3A_276 = arith.constant 4096 : i32
    %mul3A_277 = vector.broadcast %mul3A_276 : i32 to vector<16xi32>
    %mul3A_278 = arith.muli %min3A_265, %mul3A_277 : vector<16xi32>
    %add3A_279 = arith.addi %mul3A_278, %min3A_275 : vector<16xi32>
    %swap3A_280 = arith.constant 0 : i32
    %swap3A_281 = arith.index_cast %swap3A_280 : i32 to index
    %swap3A_282 = arith.constant 112 : index
    %swap3A_283 = tpu.vector_load %arg8[%swap3A_281, %swap3A_282] {strides = array<i32>} : memref<4x128xi32, #tpu.memory_space<vmem>>, vector<1x16xi32>,
    %swap3A_284 = vector.shape_cast %swap3A_283 : vector<1x16xi32> to vector<16xi32>
    %swap3A_285 = vector.shape_cast %add3A_279 : vector<16xi32> to vector<1x16xi32>
    tpu.vector_store %arg8[%swap3A_281, %swap3A_282], %swap3A_285 {strides = array<i32>} : memref<4x128xi32, #tpu.memory_space<vmem>>, vector<1x16xi32>,
    %get3A_286 = arith.constant 128 : index
    %get3A_287 = tpu.vector_load %arg6[%get3A_286] {strides = array<i32>} : memref<512xf32, #tpu.memory_space<vmem>>, vector<16xf32>,
    %get3A_288 = vector.shape_cast %get3A_287 : vector<16xf32> to vector<16xf32>
    %get3A_289 = arith.constant 128 : index
    %get3A_290 = tpu.vector_load %arg7[%get3A_289] {strides = array<i32>} : memref<512xf32, #tpu.memory_space<vmem>>, vector<16xf32>,
    %get3A_291 = vector.shape_cast %get3A_290 : vector<16xf32> to vector<16xf32>
    %mul3A_292 = arith.constant 4.096000e+03 : f32
    %mul3A_293 = vector.broadcast %mul3A_292 : f32 to vector<16xf32>
    %mul3A_294 = arith.mulf %get3A_288, %mul3A_293 : vector<16xf32>
    %convert_element_type3A_295 = arith.fptosi %mul3A_294 : vector<16xf32> to vector<16xi32>
    %max3A_296 = arith.constant 0 : i32
    %max3A_297 = vector.broadcast %max3A_296 : i32 to vector<16xi32>
    %max3A_298 = arith.maxsi %convert_element_type3A_295, %max3A_297 : vector<16xi32>
    %min3A_299 = arith.constant 4095 : i32
    %min3A_300 = vector.broadcast %min3A_299 : i32 to vector<16xi32>
    %min3A_301 = arith.minsi %max3A_298, %min3A_300 : vector<16xi32>
    %mul3A_302 = arith.constant 4.096000e+03 : f32
    %mul3A_303 = vector.broadcast %mul3A_302 : f32 to vector<16xf32>
    %mul3A_304 = arith.mulf %get3A_291, %mul3A_303 : vector<16xf32>
    %convert_element_type3A_305 = arith.fptosi %mul3A_304 : vector<16xf32> to vector<16xi32>
    %max3A_306 = arith.constant 0 : i32
    %max3A_307 = vector.broadcast %max3A_306 : i32 to vector<16xi32>
    %max3A_308 = arith.maxsi %convert_element_type3A_305, %max3A_307 : vector<16xi32>
    %min3A_309 = arith.constant 4095 : i32
    %min3A_310 = vector.broadcast %min3A_309 : i32 to vector<16xi32>
    %min3A_311 = arith.minsi %max3A_308, %min3A_310 : vector<16xi32>
    %mul3A_312 = arith.constant 4096 : i32
    %mul3A_313 = vector.broadcast %mul3A_312 : i32 to vector<16xi32>
    %mul3A_314 = arith.muli %min3A_301, %mul3A_313 : vector<16xi32>
    %add3A_315 = arith.addi %mul3A_314, %min3A_311 : vector<16xi32>
    %swap3A_316 = arith.constant 1 : i32
    %swap3A_317 = arith.index_cast %swap3A_316 : i32 to index
    %swap3A_318 = arith.constant 0 : index
    %swap3A_319 = tpu.vector_load %arg8[%swap3A_317, %swap3A_318] {strides = array<i32>} : memref<4x128xi32, #tpu.memory_space<vmem>>, vector<1x16xi32>,
    %swap3A_320 = vector.shape_cast %swap3A_319 : vector<1x16xi32> to vector<16xi32>
    %swap3A_321 = vector.shape_cast %add3A_315 : vector<16xi32> to vector<1x16xi32>
    tpu.vector_store %arg8[%swap3A_317, %swap3A_318], %swap3A_321 {strides = array<i32>} : memref<4x128xi32, #tpu.memory_space<vmem>>, vector<1x16xi32>,
    %get3A_322 = arith.constant 144 : index
    %get3A_323 = tpu.vector_load %arg6[%get3A_322] {strides = array<i32>} : memref<512xf32, #tpu.memory_space<vmem>>, vector<16xf32>,
    %get3A_324 = vector.shape_cast %get3A_323 : vector<16xf32> to vector<16xf32>
    %get3A_325 = arith.constant 144 : index
    %get3A_326 = tpu.vector_load %arg7[%get3A_325] {strides = array<i32>} : memref<512xf32, #tpu.memory_space<vmem>>, vector<16xf32>,
    %get3A_327 = vector.shape_cast %get3A_326 : vector<16xf32> to vector<16xf32>
    %mul3A_328 = arith.constant 4.096000e+03 : f32
    %mul3A_329 = vector.broadcast %mul3A_328 : f32 to vector<16xf32>
    %mul3A_330 = arith.mulf %get3A_324, %mul3A_329 : vector<16xf32>
    %convert_element_type3A_331 = arith.fptosi %mul3A_330 : vector<16xf32> to vector<16xi32>
    %max3A_332 = arith.constant 0 : i32
    %max3A_333 = vector.broadcast %max3A_332 : i32 to vector<16xi32>
    %max3A_334 = arith.maxsi %convert_element_type3A_331, %max3A_333 : vector<16xi32>
    %min3A_335 = arith.constant 4095 : i32
    %min3A_336 = vector.broadcast %min3A_335 : i32 to vector<16xi32>
    %min3A_337 = arith.minsi %max3A_334, %min3A_336 : vector<16xi32>
    %mul3A_338 = arith.constant 4.096000e+03 : f32
    %mul3A_339 = vector.broadcast %mul3A_338 : f32 to vector<16xf32>
    %mul3A_340 = arith.mulf %get3A_327, %mul3A_339 : vector<16xf32>
    %convert_element_type3A_341 = arith.fptosi %mul3A_340 : vector<16xf32> to vector<16xi32>
    %max3A_342 = arith.constant 0 : i32
    %max3A_343 = vector.broadcast %max3A_342 : i32 to vector<16xi32>
    %max3A_344 = arith.maxsi %convert_element_type3A_341, %max3A_343 : vector<16xi32>
    %min3A_345 = arith.constant 4095 : i32
    %min3A_346 = vector.broadcast %min3A_345 : i32 to vector<16xi32>
    %min3A_347 = arith.minsi %max3A_344, %min3A_346 : vector<16xi32>
    %mul3A_348 = arith.constant 4096 : i32
    %mul3A_349 = vector.broadcast %mul3A_348 : i32 to vector<16xi32>
    %mul3A_350 = arith.muli %min3A_337, %mul3A_349 : vector<16xi32>
    %add3A_351 = arith.addi %mul3A_350, %min3A_347 : vector<16xi32>
    %swap3A_352 = arith.constant 1 : i32
    %swap3A_353 = arith.index_cast %swap3A_352 : i32 to index
    %swap3A_354 = arith.constant 16 : index
    %swap3A_355 = tpu.vector_load %arg8[%swap3A_353, %swap3A_354] {strides = array<i32>} : memref<4x128xi32, #tpu.memory_space<vmem>>, vector<1x16xi32>,
    %swap3A_356 = vector.shape_cast %swap3A_355 : vector<1x16xi32> to vector<16xi32>
    %swap3A_357 = vector.shape_cast %add3A_351 : vector<16xi32> to vector<1x16xi32>
    tpu.vector_store %arg8[%swap3A_353, %swap3A_354], %swap3A_357 {strides = array<i32>} : memref<4x128xi32, #tpu.memory_space<vmem>>, vector<1x16xi32>,
    %get3A_358 = arith.constant 160 : index
    %get3A_359 = tpu.vector_load %arg6[%get3A_358] {strides = array<i32>} : memref<512xf32, #tpu.memory_space<vmem>>, vector<16xf32>,
    %get3A_360 = vector.shape_cast %get3A_359 : vector<16xf32> to vector<16xf32>
    %get3A_361 = arith.constant 160 : index
    %get3A_362 = tpu.vector_load %arg7[%get3A_361] {strides = array<i32>} : memref<512xf32, #tpu.memory_space<vmem>>, vector<16xf32>,
    %get3A_363 = vector.shape_cast %get3A_362 : vector<16xf32> to vector<16xf32>
    %mul3A_364 = arith.constant 4.096000e+03 : f32
    %mul3A_365 = vector.broadcast %mul3A_364 : f32 to vector<16xf32>
    %mul3A_366 = arith.mulf %get3A_360, %mul3A_365 : vector<16xf32>
    %convert_element_type3A_367 = arith.fptosi %mul3A_366 : vector<16xf32> to vector<16xi32>
    %max3A_368 = arith.constant 0 : i32
    %max3A_369 = vector.broadcast %max3A_368 : i32 to vector<16xi32>
    %max3A_370 = arith.maxsi %convert_element_type3A_367, %max3A_369 : vector<16xi32>
    %min3A_371 = arith.constant 4095 : i32
    %min3A_372 = vector.broadcast %min3A_371 : i32 to vector<16xi32>
    %min3A_373 = arith.minsi %max3A_370, %min3A_372 : vector<16xi32>
    %mul3A_374 = arith.constant 4.096000e+03 : f32
    %mul3A_375 = vector.broadcast %mul3A_374 : f32 to vector<16xf32>
    %mul3A_376 = arith.mulf %get3A_363, %mul3A_375 : vector<16xf32>
    %convert_element_type3A_377 = arith.fptosi %mul3A_376 : vector<16xf32> to vector<16xi32>
    %max3A_378 = arith.constant 0 : i32
    %max3A_379 = vector.broadcast %max3A_378 : i32 to vector<16xi32>
    %max3A_380 = arith.maxsi %convert_element_type3A_377, %max3A_379 : vector<16xi32>
    %min3A_381 = arith.constant 4095 : i32
    %min3A_382 = vector.broadcast %min3A_381 : i32 to vector<16xi32>
    %min3A_383 = arith.minsi %max3A_380, %min3A_382 : vector<16xi32>
    %mul3A_384 = arith.constant 4096 : i32
    %mul3A_385 = vector.broadcast %mul3A_384 : i32 to vector<16xi32>
    %mul3A_386 = arith.muli %min3A_373, %mul3A_385 : vector<16xi32>
    %add3A_387 = arith.addi %mul3A_386, %min3A_383 : vector<16xi32>
    %swap3A_388 = arith.constant 1 : i32
    %swap3A_389 = arith.index_cast %swap3A_388 : i32 to index
    %swap3A_390 = arith.constant 32 : index
    %swap3A_391 = tpu.vector_load %arg8[%swap3A_389, %swap3A_390] {strides = array<i32>} : memref<4x128xi32, #tpu.memory_space<vmem>>, vector<1x16xi32>,
    %swap3A_392 = vector.shape_cast %swap3A_391 : vector<1x16xi32> to vector<16xi32>
    %swap3A_393 = vector.shape_cast %add3A_387 : vector<16xi32> to vector<1x16xi32>
    tpu.vector_store %arg8[%swap3A_389, %swap3A_390], %swap3A_393 {strides = array<i32>} : memref<4x128xi32, #tpu.memory_space<vmem>>, vector<1x16xi32>,
    %get3A_394 = arith.constant 176 : index
    %get3A_395 = tpu.vector_load %arg6[%get3A_394] {strides = array<i32>} : memref<512xf32, #tpu.memory_space<vmem>>, vector<16xf32>,
    %get3A_396 = vector.shape_cast %get3A_395 : vector<16xf32> to vector<16xf32>
    %get3A_397 = arith.constant 176 : index
    %get3A_398 = tpu.vector_load %arg7[%get3A_397] {strides = array<i32>} : memref<512xf32, #tpu.memory_space<vmem>>, vector<16xf32>,
    %get3A_399 = vector.shape_cast %get3A_398 : vector<16xf32> to vector<16xf32>
    %mul3A_400 = arith.constant 4.096000e+03 : f32
    %mul3A_401 = vector.broadcast %mul3A_400 : f32 to vector<16xf32>
    %mul3A_402 = arith.mulf %get3A_396, %mul3A_401 : vector<16xf32>
    %convert_element_type3A_403 = arith.fptosi %mul3A_402 : vector<16xf32> to vector<16xi32>
    %max3A_404 = arith.constant 0 : i32
    %max3A_405 = vector.broadcast %max3A_404 : i32 to vector<16xi32>
    %max3A_406 = arith.maxsi %convert_element_type3A_403, %max3A_405 : vector<16xi32>
    %min3A_407 = arith.constant 4095 : i32
    %min3A_408 = vector.broadcast %min3A_407 : i32 to vector<16xi32>
    %min3A_409 = arith.minsi %max3A_406, %min3A_408 : vector<16xi32>
    %mul3A_410 = arith.constant 4.096000e+03 : f32
    %mul3A_411 = vector.broadcast %mul3A_410 : f32 to vector<16xf32>
    %mul3A_412 = arith.mulf %get3A_399, %mul3A_411 : vector<16xf32>
    %convert_element_type3A_413 = arith.fptosi %mul3A_412 : vector<16xf32> to vector<16xi32>
    %max3A_414 = arith.constant 0 : i32
    %max3A_415 = vector.broadcast %max3A_414 : i32 to vector<16xi32>
    %max3A_416 = arith.maxsi %convert_element_type3A_413, %max3A_415 : vector<16xi32>
    %min3A_417 = arith.constant 4095 : i32
    %min3A_418 = vector.broadcast %min3A_417 : i32 to vector<16xi32>
    %min3A_419 = arith.minsi %max3A_416, %min3A_418 : vector<16xi32>
    %mul3A_420 = arith.constant 4096 : i32
    %mul3A_421 = vector.broadcast %mul3A_420 : i32 to vector<16xi32>
    %mul3A_422 = arith.muli %min3A_409, %mul3A_421 : vector<16xi32>
    %add3A_423 = arith.addi %mul3A_422, %min3A_419 : vector<16xi32>
    %swap3A_424 = arith.constant 1 : i32
    %swap3A_425 = arith.index_cast %swap3A_424 : i32 to index
    %swap3A_426 = arith.constant 48 : index
    %swap3A_427 = tpu.vector_load %arg8[%swap3A_425, %swap3A_426] {strides = array<i32>} : memref<4x128xi32, #tpu.memory_space<vmem>>, vector<1x16xi32>,
    %swap3A_428 = vector.shape_cast %swap3A_427 : vector<1x16xi32> to vector<16xi32>
    %swap3A_429 = vector.shape_cast %add3A_423 : vector<16xi32> to vector<1x16xi32>
    tpu.vector_store %arg8[%swap3A_425, %swap3A_426], %swap3A_429 {strides = array<i32>} : memref<4x128xi32, #tpu.memory_space<vmem>>, vector<1x16xi32>,
    %get3A_430 = arith.constant 192 : index
    %get3A_431 = tpu.vector_load %arg6[%get3A_430] {strides = array<i32>} : memref<512xf32, #tpu.memory_space<vmem>>, vector<16xf32>,
    %get3A_432 = vector.shape_cast %get3A_431 : vector<16xf32> to vector<16xf32>
    %get3A_433 = arith.constant 192 : index
    %get3A_434 = tpu.vector_load %arg7[%get3A_433] {strides = array<i32>} : memref<512xf32, #tpu.memory_space<vmem>>, vector<16xf32>,
    %get3A_435 = vector.shape_cast %get3A_434 : vector<16xf32> to vector<16xf32>
    %mul3A_436 = arith.constant 4.096000e+03 : f32
    %mul3A_437 = vector.broadcast %mul3A_436 : f32 to vector<16xf32>
    %mul3A_438 = arith.mulf %get3A_432, %mul3A_437 : vector<16xf32>
    %convert_element_type3A_439 = arith.fptosi %mul3A_438 : vector<16xf32> to vector<16xi32>
    %max3A_440 = arith.constant 0 : i32
    %max3A_441 = vector.broadcast %max3A_440 : i32 to vector<16xi32>
    %max3A_442 = arith.maxsi %convert_element_type3A_439, %max3A_441 : vector<16xi32>
    %min3A_443 = arith.constant 4095 : i32
    %min3A_444 = vector.broadcast %min3A_443 : i32 to vector<16xi32>
    %min3A_445 = arith.minsi %max3A_442, %min3A_444 : vector<16xi32>
    %mul3A_446 = arith.constant 4.096000e+03 : f32
    %mul3A_447 = vector.broadcast %mul3A_446 : f32 to vector<16xf32>
    %mul3A_448 = arith.mulf %get3A_435, %mul3A_447 : vector<16xf32>
    %convert_element_type3A_449 = arith.fptosi %mul3A_448 : vector<16xf32> to vector<16xi32>
    %max3A_450 = arith.constant 0 : i32
    %max3A_451 = vector.broadcast %max3A_450 : i32 to vector<16xi32>
    %max3A_452 = arith.maxsi %convert_element_type3A_449, %max3A_451 : vector<16xi32>
    %min3A_453 = arith.constant 4095 : i32
    %min3A_454 = vector.broadcast %min3A_453 : i32 to vector<16xi32>
    %min3A_455 = arith.minsi %max3A_452, %min3A_454 : vector<16xi32>
    %mul3A_456 = arith.constant 4096 : i32
    %mul3A_457 = vector.broadcast %mul3A_456 : i32 to vector<16xi32>
    %mul3A_458 = arith.muli %min3A_445, %mul3A_457 : vector<16xi32>
    %add3A_459 = arith.addi %mul3A_458, %min3A_455 : vector<16xi32>
    %swap3A_460 = arith.constant 1 : i32
    %swap3A_461 = arith.index_cast %swap3A_460 : i32 to index
    %swap3A_462 = arith.constant 64 : index
    %swap3A_463 = tpu.vector_load %arg8[%swap3A_461, %swap3A_462] {strides = array<i32>} : memref<4x128xi32, #tpu.memory_space<vmem>>, vector<1x16xi32>,
    %swap3A_464 = vector.shape_cast %swap3A_463 : vector<1x16xi32> to vector<16xi32>
    %swap3A_465 = vector.shape_cast %add3A_459 : vector<16xi32> to vector<1x16xi32>
    tpu.vector_store %arg8[%swap3A_461, %swap3A_462], %swap3A_465 {strides = array<i32>} : memref<4x128xi32, #tpu.memory_space<vmem>>, vector<1x16xi32>,
    %get3A_466 = arith.constant 208 : index
    %get3A_467 = tpu.vector_load %arg6[%get3A_466] {strides = array<i32>} : memref<512xf32, #tpu.memory_space<vmem>>, vector<16xf32>,
    %get3A_468 = vector.shape_cast %get3A_467 : vector<16xf32> to vector<16xf32>
    %get3A_469 = arith.constant 208 : index
    %get3A_470 = tpu.vector_load %arg7[%get3A_469] {strides = array<i32>} : memref<512xf32, #tpu.memory_space<vmem>>, vector<16xf32>,
    %get3A_471 = vector.shape_cast %get3A_470 : vector<16xf32> to vector<16xf32>
    %mul3A_472 = arith.constant 4.096000e+03 : f32
    %mul3A_473 = vector.broadcast %mul3A_472 : f32 to vector<16xf32>
    %mul3A_474 = arith.mulf %get3A_468, %mul3A_473 : vector<16xf32>
    %convert_element_type3A_475 = arith.fptosi %mul3A_474 : vector<16xf32> to vector<16xi32>
    %max3A_476 = arith.constant 0 : i32
    %max3A_477 = vector.broadcast %max3A_476 : i32 to vector<16xi32>
    %max3A_478 = arith.maxsi %convert_element_type3A_475, %max3A_477 : vector<16xi32>
    %min3A_479 = arith.constant 4095 : i32
    %min3A_480 = vector.broadcast %min3A_479 : i32 to vector<16xi32>
    %min3A_481 = arith.minsi %max3A_478, %min3A_480 : vector<16xi32>
    %mul3A_482 = arith.constant 4.096000e+03 : f32
    %mul3A_483 = vector.broadcast %mul3A_482 : f32 to vector<16xf32>
    %mul3A_484 = arith.mulf %get3A_471, %mul3A_483 : vector<16xf32>
    %convert_element_type3A_485 = arith.fptosi %mul3A_484 : vector<16xf32> to vector<16xi32>
    %max3A_486 = arith.constant 0 : i32
    %max3A_487 = vector.broadcast %max3A_486 : i32 to vector<16xi32>
    %max3A_488 = arith.maxsi %convert_element_type3A_485, %max3A_487 : vector<16xi32>
    %min3A_489 = arith.constant 4095 : i32
    %min3A_490 = vector.broadcast %min3A_489 : i32 to vector<16xi32>
    %min3A_491 = arith.minsi %max3A_488, %min3A_490 : vector<16xi32>
    %mul3A_492 = arith.constant 4096 : i32
    %mul3A_493 = vector.broadcast %mul3A_492 : i32 to vector<16xi32>
    %mul3A_494 = arith.muli %min3A_481, %mul3A_493 : vector<16xi32>
    %add3A_495 = arith.addi %mul3A_494, %min3A_491 : vector<16xi32>
    %swap3A_496 = arith.constant 1 : i32
    %swap3A_497 = arith.index_cast %swap3A_496 : i32 to index
    %swap3A_498 = arith.constant 80 : index
    %swap3A_499 = tpu.vector_load %arg8[%swap3A_497, %swap3A_498] {strides = array<i32>} : memref<4x128xi32, #tpu.memory_space<vmem>>, vector<1x16xi32>,
    %swap3A_500 = vector.shape_cast %swap3A_499 : vector<1x16xi32> to vector<16xi32>
    %swap3A_501 = vector.shape_cast %add3A_495 : vector<16xi32> to vector<1x16xi32>
    tpu.vector_store %arg8[%swap3A_497, %swap3A_498], %swap3A_501 {strides = array<i32>} : memref<4x128xi32, #tpu.memory_space<vmem>>, vector<1x16xi32>,
    %get3A_502 = arith.constant 224 : index
    %get3A_503 = tpu.vector_load %arg6[%get3A_502] {strides = array<i32>} : memref<512xf32, #tpu.memory_space<vmem>>, vector<16xf32>,
    %get3A_504 = vector.shape_cast %get3A_503 : vector<16xf32> to vector<16xf32>
    %get3A_505 = arith.constant 224 : index
    %get3A_506 = tpu.vector_load %arg7[%get3A_505] {strides = array<i32>} : memref<512xf32, #tpu.memory_space<vmem>>, vector<16xf32>,
    %get3A_507 = vector.shape_cast %get3A_506 : vector<16xf32> to vector<16xf32>
    %mul3A_508 = arith.constant 4.096000e+03 : f32
    %mul3A_509 = vector.broadcast %mul3A_508 : f32 to vector<16xf32>
    %mul3A_510 = arith.mulf %get3A_504, %mul3A_509 : vector<16xf32>
    %convert_element_type3A_511 = arith.fptosi %mul3A_510 : vector<16xf32> to vector<16xi32>
    %max3A_512 = arith.constant 0 : i32
    %max3A_513 = vector.broadcast %max3A_512 : i32 to vector<16xi32>
    %max3A_514 = arith.maxsi %convert_element_type3A_511, %max3A_513 : vector<16xi32>
    %min3A_515 = arith.constant 4095 : i32
    %min3A_516 = vector.broadcast %min3A_515 : i32 to vector<16xi32>
    %min3A_517 = arith.minsi %max3A_514, %min3A_516 : vector<16xi32>
    %mul3A_518 = arith.constant 4.096000e+03 : f32
    %mul3A_519 = vector.broadcast %mul3A_518 : f32 to vector<16xf32>
    %mul3A_520 = arith.mulf %get3A_507, %mul3A_519 : vector<16xf32>
    %convert_element_type3A_521 = arith.fptosi %mul3A_520 : vector<16xf32> to vector<16xi32>
    %max3A_522 = arith.constant 0 : i32
    %max3A_523 = vector.broadcast %max3A_522 : i32 to vector<16xi32>
    %max3A_524 = arith.maxsi %convert_element_type3A_521, %max3A_523 : vector<16xi32>
    %min3A_525 = arith.constant 4095 : i32
    %min3A_526 = vector.broadcast %min3A_525 : i32 to vector<16xi32>
    %min3A_527 = arith.minsi %max3A_524, %min3A_526 : vector<16xi32>
    %mul3A_528 = arith.constant 4096 : i32
    %mul3A_529 = vector.broadcast %mul3A_528 : i32 to vector<16xi32>
    %mul3A_530 = arith.muli %min3A_517, %mul3A_529 : vector<16xi32>
    %add3A_531 = arith.addi %mul3A_530, %min3A_527 : vector<16xi32>
    %swap3A_532 = arith.constant 1 : i32
    %swap3A_533 = arith.index_cast %swap3A_532 : i32 to index
    %swap3A_534 = arith.constant 96 : index
    %swap3A_535 = tpu.vector_load %arg8[%swap3A_533, %swap3A_534] {strides = array<i32>} : memref<4x128xi32, #tpu.memory_space<vmem>>, vector<1x16xi32>,
    %swap3A_536 = vector.shape_cast %swap3A_535 : vector<1x16xi32> to vector<16xi32>
    %swap3A_537 = vector.shape_cast %add3A_531 : vector<16xi32> to vector<1x16xi32>
    tpu.vector_store %arg8[%swap3A_533, %swap3A_534], %swap3A_537 {strides = array<i32>} : memref<4x128xi32, #tpu.memory_space<vmem>>, vector<1x16xi32>,
    %get3A_538 = arith.constant 240 : index
    %get3A_539 = tpu.vector_load %arg6[%get3A_538] {strides = array<i32>} : memref<512xf32, #tpu.memory_space<vmem>>, vector<16xf32>,
    %get3A_540 = vector.shape_cast %get3A_539 : vector<16xf32> to vector<16xf32>
    %get3A_541 = arith.constant 240 : index
    %get3A_542 = tpu.vector_load %arg7[%get3A_541] {strides = array<i32>} : memref<512xf32, #tpu.memory_space<vmem>>, vector<16xf32>,
    %get3A_543 = vector.shape_cast %get3A_542 : vector<16xf32> to vector<16xf32>
    %mul3A_544 = arith.constant 4.096000e+03 : f32
    %mul3A_545 = vector.broadcast %mul3A_544 : f32 to vector<16xf32>
    %mul3A_546 = arith.mulf %get3A_540, %mul3A_545 : vector<16xf32>
    %convert_element_type3A_547 = arith.fptosi %mul3A_546 : vector<16xf32> to vector<16xi32>
    %max3A_548 = arith.constant 0 : i32
    %max3A_549 = vector.broadcast %max3A_548 : i32 to vector<16xi32>
    %max3A_550 = arith.maxsi %convert_element_type3A_547, %max3A_549 : vector<16xi32>
    %min3A_551 = arith.constant 4095 : i32
    %min3A_552 = vector.broadcast %min3A_551 : i32 to vector<16xi32>
    %min3A_553 = arith.minsi %max3A_550, %min3A_552 : vector<16xi32>
    %mul3A_554 = arith.constant 4.096000e+03 : f32
    %mul3A_555 = vector.broadcast %mul3A_554 : f32 to vector<16xf32>
    %mul3A_556 = arith.mulf %get3A_543, %mul3A_555 : vector<16xf32>
    %convert_element_type3A_557 = arith.fptosi %mul3A_556 : vector<16xf32> to vector<16xi32>
    %max3A_558 = arith.constant 0 : i32
    %max3A_559 = vector.broadcast %max3A_558 : i32 to vector<16xi32>
    %max3A_560 = arith.maxsi %convert_element_type3A_557, %max3A_559 : vector<16xi32>
    %min3A_561 = arith.constant 4095 : i32
    %min3A_562 = vector.broadcast %min3A_561 : i32 to vector<16xi32>
    %min3A_563 = arith.minsi %max3A_560, %min3A_562 : vector<16xi32>
    %mul3A_564 = arith.constant 4096 : i32
    %mul3A_565 = vector.broadcast %mul3A_564 : i32 to vector<16xi32>
    %mul3A_566 = arith.muli %min3A_553, %mul3A_565 : vector<16xi32>
    %add3A_567 = arith.addi %mul3A_566, %min3A_563 : vector<16xi32>
    %swap3A_568 = arith.constant 1 : i32
    %swap3A_569 = arith.index_cast %swap3A_568 : i32 to index
    %swap3A_570 = arith.constant 112 : index
    %swap3A_571 = tpu.vector_load %arg8[%swap3A_569, %swap3A_570] {strides = array<i32>} : memref<4x128xi32, #tpu.memory_space<vmem>>, vector<1x16xi32>,
    %swap3A_572 = vector.shape_cast %swap3A_571 : vector<1x16xi32> to vector<16xi32>
    %swap3A_573 = vector.shape_cast %add3A_567 : vector<16xi32> to vector<1x16xi32>
    tpu.vector_store %arg8[%swap3A_569, %swap3A_570], %swap3A_573 {strides = array<i32>} : memref<4x128xi32, #tpu.memory_space<vmem>>, vector<1x16xi32>,
    %get3A_574 = arith.constant 256 : index
    %get3A_575 = tpu.vector_load %arg6[%get3A_574] {strides = array<i32>} : memref<512xf32, #tpu.memory_space<vmem>>, vector<16xf32>,
    %get3A_576 = vector.shape_cast %get3A_575 : vector<16xf32> to vector<16xf32>
    %get3A_577 = arith.constant 256 : index
    %get3A_578 = tpu.vector_load %arg7[%get3A_577] {strides = array<i32>} : memref<512xf32, #tpu.memory_space<vmem>>, vector<16xf32>,
    %get3A_579 = vector.shape_cast %get3A_578 : vector<16xf32> to vector<16xf32>
    %mul3A_580 = arith.constant 4.096000e+03 : f32
    %mul3A_581 = vector.broadcast %mul3A_580 : f32 to vector<16xf32>
    %mul3A_582 = arith.mulf %get3A_576, %mul3A_581 : vector<16xf32>
    %convert_element_type3A_583 = arith.fptosi %mul3A_582 : vector<16xf32> to vector<16xi32>
    %max3A_584 = arith.constant 0 : i32
    %max3A_585 = vector.broadcast %max3A_584 : i32 to vector<16xi32>
    %max3A_586 = arith.maxsi %convert_element_type3A_583, %max3A_585 : vector<16xi32>
    %min3A_587 = arith.constant 4095 : i32
    %min3A_588 = vector.broadcast %min3A_587 : i32 to vector<16xi32>
    %min3A_589 = arith.minsi %max3A_586, %min3A_588 : vector<16xi32>
    %mul3A_590 = arith.constant 4.096000e+03 : f32
    %mul3A_591 = vector.broadcast %mul3A_590 : f32 to vector<16xf32>
    %mul3A_592 = arith.mulf %get3A_579, %mul3A_591 : vector<16xf32>
    %convert_element_type3A_593 = arith.fptosi %mul3A_592 : vector<16xf32> to vector<16xi32>
    %max3A_594 = arith.constant 0 : i32
    %max3A_595 = vector.broadcast %max3A_594 : i32 to vector<16xi32>
    %max3A_596 = arith.maxsi %convert_element_type3A_593, %max3A_595 : vector<16xi32>
    %min3A_597 = arith.constant 4095 : i32
    %min3A_598 = vector.broadcast %min3A_597 : i32 to vector<16xi32>
    %min3A_599 = arith.minsi %max3A_596, %min3A_598 : vector<16xi32>
    %mul3A_600 = arith.constant 4096 : i32
    %mul3A_601 = vector.broadcast %mul3A_600 : i32 to vector<16xi32>
    %mul3A_602 = arith.muli %min3A_589, %mul3A_601 : vector<16xi32>
    %add3A_603 = arith.addi %mul3A_602, %min3A_599 : vector<16xi32>
    %swap3A_604 = arith.constant 2 : i32
    %swap3A_605 = arith.index_cast %swap3A_604 : i32 to index
    %swap3A_606 = arith.constant 0 : index
    %swap3A_607 = tpu.vector_load %arg8[%swap3A_605, %swap3A_606] {strides = array<i32>} : memref<4x128xi32, #tpu.memory_space<vmem>>, vector<1x16xi32>,
    %swap3A_608 = vector.shape_cast %swap3A_607 : vector<1x16xi32> to vector<16xi32>
    %swap3A_609 = vector.shape_cast %add3A_603 : vector<16xi32> to vector<1x16xi32>
    tpu.vector_store %arg8[%swap3A_605, %swap3A_606], %swap3A_609 {strides = array<i32>} : memref<4x128xi32, #tpu.memory_space<vmem>>, vector<1x16xi32>,
    %get3A_610 = arith.constant 272 : index
    %get3A_611 = tpu.vector_load %arg6[%get3A_610] {strides = array<i32>} : memref<512xf32, #tpu.memory_space<vmem>>, vector<16xf32>,
    %get3A_612 = vector.shape_cast %get3A_611 : vector<16xf32> to vector<16xf32>
    %get3A_613 = arith.constant 272 : index
    %get3A_614 = tpu.vector_load %arg7[%get3A_613] {strides = array<i32>} : memref<512xf32, #tpu.memory_space<vmem>>, vector<16xf32>,
    %get3A_615 = vector.shape_cast %get3A_614 : vector<16xf32> to vector<16xf32>
    %mul3A_616 = arith.constant 4.096000e+03 : f32
    %mul3A_617 = vector.broadcast %mul3A_616 : f32 to vector<16xf32>
    %mul3A_618 = arith.mulf %get3A_612, %mul3A_617 : vector<16xf32>
    %convert_element_type3A_619 = arith.fptosi %mul3A_618 : vector<16xf32> to vector<16xi32>
    %max3A_620 = arith.constant 0 : i32
    %max3A_621 = vector.broadcast %max3A_620 : i32 to vector<16xi32>
    %max3A_622 = arith.maxsi %convert_element_type3A_619, %max3A_621 : vector<16xi32>
    %min3A_623 = arith.constant 4095 : i32
    %min3A_624 = vector.broadcast %min3A_623 : i32 to vector<16xi32>
    %min3A_625 = arith.minsi %max3A_622, %min3A_624 : vector<16xi32>
    %mul3A_626 = arith.constant 4.096000e+03 : f32
    %mul3A_627 = vector.broadcast %mul3A_626 : f32 to vector<16xf32>
    %mul3A_628 = arith.mulf %get3A_615, %mul3A_627 : vector<16xf32>
    %convert_element_type3A_629 = arith.fptosi %mul3A_628 : vector<16xf32> to vector<16xi32>
    %max3A_630 = arith.constant 0 : i32
    %max3A_631 = vector.broadcast %max3A_630 : i32 to vector<16xi32>
    %max3A_632 = arith.maxsi %convert_element_type3A_629, %max3A_631 : vector<16xi32>
    %min3A_633 = arith.constant 4095 : i32
    %min3A_634 = vector.broadcast %min3A_633 : i32 to vector<16xi32>
    %min3A_635 = arith.minsi %max3A_632, %min3A_634 : vector<16xi32>
    %mul3A_636 = arith.constant 4096 : i32
    %mul3A_637 = vector.broadcast %mul3A_636 : i32 to vector<16xi32>
    %mul3A_638 = arith.muli %min3A_625, %mul3A_637 : vector<16xi32>
    %add3A_639 = arith.addi %mul3A_638, %min3A_635 : vector<16xi32>
    %swap3A_640 = arith.constant 2 : i32
    %swap3A_641 = arith.index_cast %swap3A_640 : i32 to index
    %swap3A_642 = arith.constant 16 : index
    %swap3A_643 = tpu.vector_load %arg8[%swap3A_641, %swap3A_642] {strides = array<i32>} : memref<4x128xi32, #tpu.memory_space<vmem>>, vector<1x16xi32>,
    %swap3A_644 = vector.shape_cast %swap3A_643 : vector<1x16xi32> to vector<16xi32>
    %swap3A_645 = vector.shape_cast %add3A_639 : vector<16xi32> to vector<1x16xi32>
    tpu.vector_store %arg8[%swap3A_641, %swap3A_642], %swap3A_645 {strides = array<i32>} : memref<4x128xi32, #tpu.memory_space<vmem>>, vector<1x16xi32>,
    %get3A_646 = arith.constant 288 : index
    %get3A_647 = tpu.vector_load %arg6[%get3A_646] {strides = array<i32>} : memref<512xf32, #tpu.memory_space<vmem>>, vector<16xf32>,
    %get3A_648 = vector.shape_cast %get3A_647 : vector<16xf32> to vector<16xf32>
    %get3A_649 = arith.constant 288 : index
    %get3A_650 = tpu.vector_load %arg7[%get3A_649] {strides = array<i32>} : memref<512xf32, #tpu.memory_space<vmem>>, vector<16xf32>,
    %get3A_651 = vector.shape_cast %get3A_650 : vector<16xf32> to vector<16xf32>
    %mul3A_652 = arith.constant 4.096000e+03 : f32
    %mul3A_653 = vector.broadcast %mul3A_652 : f32 to vector<16xf32>
    %mul3A_654 = arith.mulf %get3A_648, %mul3A_653 : vector<16xf32>
    %convert_element_type3A_655 = arith.fptosi %mul3A_654 : vector<16xf32> to vector<16xi32>
    %max3A_656 = arith.constant 0 : i32
    %max3A_657 = vector.broadcast %max3A_656 : i32 to vector<16xi32>
    %max3A_658 = arith.maxsi %convert_element_type3A_655, %max3A_657 : vector<16xi32>
    %min3A_659 = arith.constant 4095 : i32
    %min3A_660 = vector.broadcast %min3A_659 : i32 to vector<16xi32>
    %min3A_661 = arith.minsi %max3A_658, %min3A_660 : vector<16xi32>
    %mul3A_662 = arith.constant 4.096000e+03 : f32
    %mul3A_663 = vector.broadcast %mul3A_662 : f32 to vector<16xf32>
    %mul3A_664 = arith.mulf %get3A_651, %mul3A_663 : vector<16xf32>
    %convert_element_type3A_665 = arith.fptosi %mul3A_664 : vector<16xf32> to vector<16xi32>
    %max3A_666 = arith.constant 0 : i32
    %max3A_667 = vector.broadcast %max3A_666 : i32 to vector<16xi32>
    %max3A_668 = arith.maxsi %convert_element_type3A_665, %max3A_667 : vector<16xi32>
    %min3A_669 = arith.constant 4095 : i32
    %min3A_670 = vector.broadcast %min3A_669 : i32 to vector<16xi32>
    %min3A_671 = arith.minsi %max3A_668, %min3A_670 : vector<16xi32>
    %mul3A_672 = arith.constant 4096 : i32
    %mul3A_673 = vector.broadcast %mul3A_672 : i32 to vector<16xi32>
    %mul3A_674 = arith.muli %min3A_661, %mul3A_673 : vector<16xi32>
    %add3A_675 = arith.addi %mul3A_674, %min3A_671 : vector<16xi32>
    %swap3A_676 = arith.constant 2 : i32
    %swap3A_677 = arith.index_cast %swap3A_676 : i32 to index
    %swap3A_678 = arith.constant 32 : index
    %swap3A_679 = tpu.vector_load %arg8[%swap3A_677, %swap3A_678] {strides = array<i32>} : memref<4x128xi32, #tpu.memory_space<vmem>>, vector<1x16xi32>,
    %swap3A_680 = vector.shape_cast %swap3A_679 : vector<1x16xi32> to vector<16xi32>
    %swap3A_681 = vector.shape_cast %add3A_675 : vector<16xi32> to vector<1x16xi32>
    tpu.vector_store %arg8[%swap3A_677, %swap3A_678], %swap3A_681 {strides = array<i32>} : memref<4x128xi32, #tpu.memory_space<vmem>>, vector<1x16xi32>,
    %get3A_682 = arith.constant 304 : index
    %get3A_683 = tpu.vector_load %arg6[%get3A_682] {strides = array<i32>} : memref<512xf32, #tpu.memory_space<vmem>>, vector<16xf32>,
    %get3A_684 = vector.shape_cast %get3A_683 : vector<16xf32> to vector<16xf32>
    %get3A_685 = arith.constant 304 : index
    %get3A_686 = tpu.vector_load %arg7[%get3A_685] {strides = array<i32>} : memref<512xf32, #tpu.memory_space<vmem>>, vector<16xf32>,
    %get3A_687 = vector.shape_cast %get3A_686 : vector<16xf32> to vector<16xf32>
    %mul3A_688 = arith.constant 4.096000e+03 : f32
    %mul3A_689 = vector.broadcast %mul3A_688 : f32 to vector<16xf32>
    %mul3A_690 = arith.mulf %get3A_684, %mul3A_689 : vector<16xf32>
    %convert_element_type3A_691 = arith.fptosi %mul3A_690 : vector<16xf32> to vector<16xi32>
    %max3A_692 = arith.constant 0 : i32
    %max3A_693 = vector.broadcast %max3A_692 : i32 to vector<16xi32>
    %max3A_694 = arith.maxsi %convert_element_type3A_691, %max3A_693 : vector<16xi32>
    %min3A_695 = arith.constant 4095 : i32
    %min3A_696 = vector.broadcast %min3A_695 : i32 to vector<16xi32>
    %min3A_697 = arith.minsi %max3A_694, %min3A_696 : vector<16xi32>
    %mul3A_698 = arith.constant 4.096000e+03 : f32
    %mul3A_699 = vector.broadcast %mul3A_698 : f32 to vector<16xf32>
    %mul3A_700 = arith.mulf %get3A_687, %mul3A_699 : vector<16xf32>
    %convert_element_type3A_701 = arith.fptosi %mul3A_700 : vector<16xf32> to vector<16xi32>
    %max3A_702 = arith.constant 0 : i32
    %max3A_703 = vector.broadcast %max3A_702 : i32 to vector<16xi32>
    %max3A_704 = arith.maxsi %convert_element_type3A_701, %max3A_703 : vector<16xi32>
    %min3A_705 = arith.constant 4095 : i32
    %min3A_706 = vector.broadcast %min3A_705 : i32 to vector<16xi32>
    %min3A_707 = arith.minsi %max3A_704, %min3A_706 : vector<16xi32>
    %mul3A_708 = arith.constant 4096 : i32
    %mul3A_709 = vector.broadcast %mul3A_708 : i32 to vector<16xi32>
    %mul3A_710 = arith.muli %min3A_697, %mul3A_709 : vector<16xi32>
    %add3A_711 = arith.addi %mul3A_710, %min3A_707 : vector<16xi32>
    %swap3A_712 = arith.constant 2 : i32
    %swap3A_713 = arith.index_cast %swap3A_712 : i32 to index
    %swap3A_714 = arith.constant 48 : index
    %swap3A_715 = tpu.vector_load %arg8[%swap3A_713, %swap3A_714] {strides = array<i32>} : memref<4x128xi32, #tpu.memory_space<vmem>>, vector<1x16xi32>,
    %swap3A_716 = vector.shape_cast %swap3A_715 : vector<1x16xi32> to vector<16xi32>
    %swap3A_717 = vector.shape_cast %add3A_711 : vector<16xi32> to vector<1x16xi32>
    tpu.vector_store %arg8[%swap3A_713, %swap3A_714], %swap3A_717 {strides = array<i32>} : memref<4x128xi32, #tpu.memory_space<vmem>>, vector<1x16xi32>,
    %get3A_718 = arith.constant 320 : index
    %get3A_719 = tpu.vector_load %arg6[%get3A_718] {strides = array<i32>} : memref<512xf32, #tpu.memory_space<vmem>>, vector<16xf32>,
    %get3A_720 = vector.shape_cast %get3A_719 : vector<16xf32> to vector<16xf32>
    %get3A_721 = arith.constant 320 : index
    %get3A_722 = tpu.vector_load %arg7[%get3A_721] {strides = array<i32>} : memref<512xf32, #tpu.memory_space<vmem>>, vector<16xf32>,
    %get3A_723 = vector.shape_cast %get3A_722 : vector<16xf32> to vector<16xf32>
    %mul3A_724 = arith.constant 4.096000e+03 : f32
    %mul3A_725 = vector.broadcast %mul3A_724 : f32 to vector<16xf32>
    %mul3A_726 = arith.mulf %get3A_720, %mul3A_725 : vector<16xf32>
    %convert_element_type3A_727 = arith.fptosi %mul3A_726 : vector<16xf32> to vector<16xi32>
    %max3A_728 = arith.constant 0 : i32
    %max3A_729 = vector.broadcast %max3A_728 : i32 to vector<16xi32>
    %max3A_730 = arith.maxsi %convert_element_type3A_727, %max3A_729 : vector<16xi32>
    %min3A_731 = arith.constant 4095 : i32
    %min3A_732 = vector.broadcast %min3A_731 : i32 to vector<16xi32>
    %min3A_733 = arith.minsi %max3A_730, %min3A_732 : vector<16xi32>
    %mul3A_734 = arith.constant 4.096000e+03 : f32
    %mul3A_735 = vector.broadcast %mul3A_734 : f32 to vector<16xf32>
    %mul3A_736 = arith.mulf %get3A_723, %mul3A_735 : vector<16xf32>
    %convert_element_type3A_737 = arith.fptosi %mul3A_736 : vector<16xf32> to vector<16xi32>
    %max3A_738 = arith.constant 0 : i32
    %max3A_739 = vector.broadcast %max3A_738 : i32 to vector<16xi32>
    %max3A_740 = arith.maxsi %convert_element_type3A_737, %max3A_739 : vector<16xi32>
    %min3A_741 = arith.constant 4095 : i32
    %min3A_742 = vector.broadcast %min3A_741 : i32 to vector<16xi32>
    %min3A_743 = arith.minsi %max3A_740, %min3A_742 : vector<16xi32>
    %mul3A_744 = arith.constant 4096 : i32
    %mul3A_745 = vector.broadcast %mul3A_744 : i32 to vector<16xi32>
    %mul3A_746 = arith.muli %min3A_733, %mul3A_745 : vector<16xi32>
    %add3A_747 = arith.addi %mul3A_746, %min3A_743 : vector<16xi32>
    %swap3A_748 = arith.constant 2 : i32
    %swap3A_749 = arith.index_cast %swap3A_748 : i32 to index
    %swap3A_750 = arith.constant 64 : index
    %swap3A_751 = tpu.vector_load %arg8[%swap3A_749, %swap3A_750] {strides = array<i32>} : memref<4x128xi32, #tpu.memory_space<vmem>>, vector<1x16xi32>,
    %swap3A_752 = vector.shape_cast %swap3A_751 : vector<1x16xi32> to vector<16xi32>
    %swap3A_753 = vector.shape_cast %add3A_747 : vector<16xi32> to vector<1x16xi32>
    tpu.vector_store %arg8[%swap3A_749, %swap3A_750], %swap3A_753 {strides = array<i32>} : memref<4x128xi32, #tpu.memory_space<vmem>>, vector<1x16xi32>,
    %get3A_754 = arith.constant 336 : index
    %get3A_755 = tpu.vector_load %arg6[%get3A_754] {strides = array<i32>} : memref<512xf32, #tpu.memory_space<vmem>>, vector<16xf32>,
    %get3A_756 = vector.shape_cast %get3A_755 : vector<16xf32> to vector<16xf32>
    %get3A_757 = arith.constant 336 : index
    %get3A_758 = tpu.vector_load %arg7[%get3A_757] {strides = array<i32>} : memref<512xf32, #tpu.memory_space<vmem>>, vector<16xf32>,
    %get3A_759 = vector.shape_cast %get3A_758 : vector<16xf32> to vector<16xf32>
    %mul3A_760 = arith.constant 4.096000e+03 : f32
    %mul3A_761 = vector.broadcast %mul3A_760 : f32 to vector<16xf32>
    %mul3A_762 = arith.mulf %get3A_756, %mul3A_761 : vector<16xf32>
    %convert_element_type3A_763 = arith.fptosi %mul3A_762 : vector<16xf32> to vector<16xi32>
    %max3A_764 = arith.constant 0 : i32
    %max3A_765 = vector.broadcast %max3A_764 : i32 to vector<16xi32>
    %max3A_766 = arith.maxsi %convert_element_type3A_763, %max3A_765 : vector<16xi32>
    %min3A_767 = arith.constant 4095 : i32
    %min3A_768 = vector.broadcast %min3A_767 : i32 to vector<16xi32>
    %min3A_769 = arith.minsi %max3A_766, %min3A_768 : vector<16xi32>
    %mul3A_770 = arith.constant 4.096000e+03 : f32
    %mul3A_771 = vector.broadcast %mul3A_770 : f32 to vector<16xf32>
    %mul3A_772 = arith.mulf %get3A_759, %mul3A_771 : vector<16xf32>
    %convert_element_type3A_773 = arith.fptosi %mul3A_772 : vector<16xf32> to vector<16xi32>
    %max3A_774 = arith.constant 0 : i32
    %max3A_775 = vector.broadcast %max3A_774 : i32 to vector<16xi32>
    %max3A_776 = arith.maxsi %convert_element_type3A_773, %max3A_775 : vector<16xi32>
    %min3A_777 = arith.constant 4095 : i32
    %min3A_778 = vector.broadcast %min3A_777 : i32 to vector<16xi32>
    %min3A_779 = arith.minsi %max3A_776, %min3A_778 : vector<16xi32>
    %mul3A_780 = arith.constant 4096 : i32
    %mul3A_781 = vector.broadcast %mul3A_780 : i32 to vector<16xi32>
    %mul3A_782 = arith.muli %min3A_769, %mul3A_781 : vector<16xi32>
    %add3A_783 = arith.addi %mul3A_782, %min3A_779 : vector<16xi32>
    %swap3A_784 = arith.constant 2 : i32
    %swap3A_785 = arith.index_cast %swap3A_784 : i32 to index
    %swap3A_786 = arith.constant 80 : index
    %swap3A_787 = tpu.vector_load %arg8[%swap3A_785, %swap3A_786] {strides = array<i32>} : memref<4x128xi32, #tpu.memory_space<vmem>>, vector<1x16xi32>,
    %swap3A_788 = vector.shape_cast %swap3A_787 : vector<1x16xi32> to vector<16xi32>
    %swap3A_789 = vector.shape_cast %add3A_783 : vector<16xi32> to vector<1x16xi32>
    tpu.vector_store %arg8[%swap3A_785, %swap3A_786], %swap3A_789 {strides = array<i32>} : memref<4x128xi32, #tpu.memory_space<vmem>>, vector<1x16xi32>,
    %get3A_790 = arith.constant 352 : index
    %get3A_791 = tpu.vector_load %arg6[%get3A_790] {strides = array<i32>} : memref<512xf32, #tpu.memory_space<vmem>>, vector<16xf32>,
    %get3A_792 = vector.shape_cast %get3A_791 : vector<16xf32> to vector<16xf32>
    %get3A_793 = arith.constant 352 : index
    %get3A_794 = tpu.vector_load %arg7[%get3A_793] {strides = array<i32>} : memref<512xf32, #tpu.memory_space<vmem>>, vector<16xf32>,
    %get3A_795 = vector.shape_cast %get3A_794 : vector<16xf32> to vector<16xf32>
    %mul3A_796 = arith.constant 4.096000e+03 : f32
    %mul3A_797 = vector.broadcast %mul3A_796 : f32 to vector<16xf32>
    %mul3A_798 = arith.mulf %get3A_792, %mul3A_797 : vector<16xf32>
    %convert_element_type3A_799 = arith.fptosi %mul3A_798 : vector<16xf32> to vector<16xi32>
    %max3A_800 = arith.constant 0 : i32
    %max3A_801 = vector.broadcast %max3A_800 : i32 to vector<16xi32>
    %max3A_802 = arith.maxsi %convert_element_type3A_799, %max3A_801 : vector<16xi32>
    %min3A_803 = arith.constant 4095 : i32
    %min3A_804 = vector.broadcast %min3A_803 : i32 to vector<16xi32>
    %min3A_805 = arith.minsi %max3A_802, %min3A_804 : vector<16xi32>
    %mul3A_806 = arith.constant 4.096000e+03 : f32
    %mul3A_807 = vector.broadcast %mul3A_806 : f32 to vector<16xf32>
    %mul3A_808 = arith.mulf %get3A_795, %mul3A_807 : vector<16xf32>
    %convert_element_type3A_809 = arith.fptosi %mul3A_808 : vector<16xf32> to vector<16xi32>
    %max3A_810 = arith.constant 0 : i32
    %max3A_811 = vector.broadcast %max3A_810 : i32 to vector<16xi32>
    %max3A_812 = arith.maxsi %convert_element_type3A_809, %max3A_811 : vector<16xi32>
    %min3A_813 = arith.constant 4095 : i32
    %min3A_814 = vector.broadcast %min3A_813 : i32 to vector<16xi32>
    %min3A_815 = arith.minsi %max3A_812, %min3A_814 : vector<16xi32>
    %mul3A_816 = arith.constant 4096 : i32
    %mul3A_817 = vector.broadcast %mul3A_816 : i32 to vector<16xi32>
    %mul3A_818 = arith.muli %min3A_805, %mul3A_817 : vector<16xi32>
    %add3A_819 = arith.addi %mul3A_818, %min3A_815 : vector<16xi32>
    %swap3A_820 = arith.constant 2 : i32
    %swap3A_821 = arith.index_cast %swap3A_820 : i32 to index
    %swap3A_822 = arith.constant 96 : index
    %swap3A_823 = tpu.vector_load %arg8[%swap3A_821, %swap3A_822] {strides = array<i32>} : memref<4x128xi32, #tpu.memory_space<vmem>>, vector<1x16xi32>,
    %swap3A_824 = vector.shape_cast %swap3A_823 : vector<1x16xi32> to vector<16xi32>
    %swap3A_825 = vector.shape_cast %add3A_819 : vector<16xi32> to vector<1x16xi32>
    tpu.vector_store %arg8[%swap3A_821, %swap3A_822], %swap3A_825 {strides = array<i32>} : memref<4x128xi32, #tpu.memory_space<vmem>>, vector<1x16xi32>,
    %get3A_826 = arith.constant 368 : index
    %get3A_827 = tpu.vector_load %arg6[%get3A_826] {strides = array<i32>} : memref<512xf32, #tpu.memory_space<vmem>>, vector<16xf32>,
    %get3A_828 = vector.shape_cast %get3A_827 : vector<16xf32> to vector<16xf32>
    %get3A_829 = arith.constant 368 : index
    %get3A_830 = tpu.vector_load %arg7[%get3A_829] {strides = array<i32>} : memref<512xf32, #tpu.memory_space<vmem>>, vector<16xf32>,
    %get3A_831 = vector.shape_cast %get3A_830 : vector<16xf32> to vector<16xf32>
    %mul3A_832 = arith.constant 4.096000e+03 : f32
    %mul3A_833 = vector.broadcast %mul3A_832 : f32 to vector<16xf32>
    %mul3A_834 = arith.mulf %get3A_828, %mul3A_833 : vector<16xf32>
    %convert_element_type3A_835 = arith.fptosi %mul3A_834 : vector<16xf32> to vector<16xi32>
    %max3A_836 = arith.constant 0 : i32
    %max3A_837 = vector.broadcast %max3A_836 : i32 to vector<16xi32>
    %max3A_838 = arith.maxsi %convert_element_type3A_835, %max3A_837 : vector<16xi32>
    %min3A_839 = arith.constant 4095 : i32
    %min3A_840 = vector.broadcast %min3A_839 : i32 to vector<16xi32>
    %min3A_841 = arith.minsi %max3A_838, %min3A_840 : vector<16xi32>
    %mul3A_842 = arith.constant 4.096000e+03 : f32
    %mul3A_843 = vector.broadcast %mul3A_842 : f32 to vector<16xf32>
    %mul3A_844 = arith.mulf %get3A_831, %mul3A_843 : vector<16xf32>
    %convert_element_type3A_845 = arith.fptosi %mul3A_844 : vector<16xf32> to vector<16xi32>
    %max3A_846 = arith.constant 0 : i32
    %max3A_847 = vector.broadcast %max3A_846 : i32 to vector<16xi32>
    %max3A_848 = arith.maxsi %convert_element_type3A_845, %max3A_847 : vector<16xi32>
    %min3A_849 = arith.constant 4095 : i32
    %min3A_850 = vector.broadcast %min3A_849 : i32 to vector<16xi32>
    %min3A_851 = arith.minsi %max3A_848, %min3A_850 : vector<16xi32>
    %mul3A_852 = arith.constant 4096 : i32
    %mul3A_853 = vector.broadcast %mul3A_852 : i32 to vector<16xi32>
    %mul3A_854 = arith.muli %min3A_841, %mul3A_853 : vector<16xi32>
    %add3A_855 = arith.addi %mul3A_854, %min3A_851 : vector<16xi32>
    %swap3A_856 = arith.constant 2 : i32
    %swap3A_857 = arith.index_cast %swap3A_856 : i32 to index
    %swap3A_858 = arith.constant 112 : index
    %swap3A_859 = tpu.vector_load %arg8[%swap3A_857, %swap3A_858] {strides = array<i32>} : memref<4x128xi32, #tpu.memory_space<vmem>>, vector<1x16xi32>,
    %swap3A_860 = vector.shape_cast %swap3A_859 : vector<1x16xi32> to vector<16xi32>
    %swap3A_861 = vector.shape_cast %add3A_855 : vector<16xi32> to vector<1x16xi32>
    tpu.vector_store %arg8[%swap3A_857, %swap3A_858], %swap3A_861 {strides = array<i32>} : memref<4x128xi32, #tpu.memory_space<vmem>>, vector<1x16xi32>,
    %get3A_862 = arith.constant 384 : index
    %get3A_863 = tpu.vector_load %arg6[%get3A_862] {strides = array<i32>} : memref<512xf32, #tpu.memory_space<vmem>>, vector<16xf32>,
    %get3A_864 = vector.shape_cast %get3A_863 : vector<16xf32> to vector<16xf32>
    %get3A_865 = arith.constant 384 : index
    %get3A_866 = tpu.vector_load %arg7[%get3A_865] {strides = array<i32>} : memref<512xf32, #tpu.memory_space<vmem>>, vector<16xf32>,
    %get3A_867 = vector.shape_cast %get3A_866 : vector<16xf32> to vector<16xf32>
    %mul3A_868 = arith.constant 4.096000e+03 : f32
    %mul3A_869 = vector.broadcast %mul3A_868 : f32 to vector<16xf32>
    %mul3A_870 = arith.mulf %get3A_864, %mul3A_869 : vector<16xf32>
    %convert_element_type3A_871 = arith.fptosi %mul3A_870 : vector<16xf32> to vector<16xi32>
    %max3A_872 = arith.constant 0 : i32
    %max3A_873 = vector.broadcast %max3A_872 : i32 to vector<16xi32>
    %max3A_874 = arith.maxsi %convert_element_type3A_871, %max3A_873 : vector<16xi32>
    %min3A_875 = arith.constant 4095 : i32
    %min3A_876 = vector.broadcast %min3A_875 : i32 to vector<16xi32>
    %min3A_877 = arith.minsi %max3A_874, %min3A_876 : vector<16xi32>
    %mul3A_878 = arith.constant 4.096000e+03 : f32
    %mul3A_879 = vector.broadcast %mul3A_878 : f32 to vector<16xf32>
    %mul3A_880 = arith.mulf %get3A_867, %mul3A_879 : vector<16xf32>
    %convert_element_type3A_881 = arith.fptosi %mul3A_880 : vector<16xf32> to vector<16xi32>
    %max3A_882 = arith.constant 0 : i32
    %max3A_883 = vector.broadcast %max3A_882 : i32 to vector<16xi32>
    %max3A_884 = arith.maxsi %convert_element_type3A_881, %max3A_883 : vector<16xi32>
    %min3A_885 = arith.constant 4095 : i32
    %min3A_886 = vector.broadcast %min3A_885 : i32 to vector<16xi32>
    %min3A_887 = arith.minsi %max3A_884, %min3A_886 : vector<16xi32>
    %mul3A_888 = arith.constant 4096 : i32
    %mul3A_889 = vector.broadcast %mul3A_888 : i32 to vector<16xi32>
    %mul3A_890 = arith.muli %min3A_877, %mul3A_889 : vector<16xi32>
    %add3A_891 = arith.addi %mul3A_890, %min3A_887 : vector<16xi32>
    %swap3A_892 = arith.constant 3 : i32
    %swap3A_893 = arith.index_cast %swap3A_892 : i32 to index
    %swap3A_894 = arith.constant 0 : index
    %swap3A_895 = tpu.vector_load %arg8[%swap3A_893, %swap3A_894] {strides = array<i32>} : memref<4x128xi32, #tpu.memory_space<vmem>>, vector<1x16xi32>,
    %swap3A_896 = vector.shape_cast %swap3A_895 : vector<1x16xi32> to vector<16xi32>
    %swap3A_897 = vector.shape_cast %add3A_891 : vector<16xi32> to vector<1x16xi32>
    tpu.vector_store %arg8[%swap3A_893, %swap3A_894], %swap3A_897 {strides = array<i32>} : memref<4x128xi32, #tpu.memory_space<vmem>>, vector<1x16xi32>,
    %get3A_898 = arith.constant 400 : index
    %get3A_899 = tpu.vector_load %arg6[%get3A_898] {strides = array<i32>} : memref<512xf32, #tpu.memory_space<vmem>>, vector<16xf32>,
    %get3A_900 = vector.shape_cast %get3A_899 : vector<16xf32> to vector<16xf32>
    %get3A_901 = arith.constant 400 : index
    %get3A_902 = tpu.vector_load %arg7[%get3A_901] {strides = array<i32>} : memref<512xf32, #tpu.memory_space<vmem>>, vector<16xf32>,
    %get3A_903 = vector.shape_cast %get3A_902 : vector<16xf32> to vector<16xf32>
    %mul3A_904 = arith.constant 4.096000e+03 : f32
    %mul3A_905 = vector.broadcast %mul3A_904 : f32 to vector<16xf32>
    %mul3A_906 = arith.mulf %get3A_900, %mul3A_905 : vector<16xf32>
    %convert_element_type3A_907 = arith.fptosi %mul3A_906 : vector<16xf32> to vector<16xi32>
    %max3A_908 = arith.constant 0 : i32
    %max3A_909 = vector.broadcast %max3A_908 : i32 to vector<16xi32>
    %max3A_910 = arith.maxsi %convert_element_type3A_907, %max3A_909 : vector<16xi32>
    %min3A_911 = arith.constant 4095 : i32
    %min3A_912 = vector.broadcast %min3A_911 : i32 to vector<16xi32>
    %min3A_913 = arith.minsi %max3A_910, %min3A_912 : vector<16xi32>
    %mul3A_914 = arith.constant 4.096000e+03 : f32
    %mul3A_915 = vector.broadcast %mul3A_914 : f32 to vector<16xf32>
    %mul3A_916 = arith.mulf %get3A_903, %mul3A_915 : vector<16xf32>
    %convert_element_type3A_917 = arith.fptosi %mul3A_916 : vector<16xf32> to vector<16xi32>
    %max3A_918 = arith.constant 0 : i32
    %max3A_919 = vector.broadcast %max3A_918 : i32 to vector<16xi32>
    %max3A_920 = arith.maxsi %convert_element_type3A_917, %max3A_919 : vector<16xi32>
    %min3A_921 = arith.constant 4095 : i32
    %min3A_922 = vector.broadcast %min3A_921 : i32 to vector<16xi32>
    %min3A_923 = arith.minsi %max3A_920, %min3A_922 : vector<16xi32>
    %mul3A_924 = arith.constant 4096 : i32
    %mul3A_925 = vector.broadcast %mul3A_924 : i32 to vector<16xi32>
    %mul3A_926 = arith.muli %min3A_913, %mul3A_925 : vector<16xi32>
    %add3A_927 = arith.addi %mul3A_926, %min3A_923 : vector<16xi32>
    %swap3A_928 = arith.constant 3 : i32
    %swap3A_929 = arith.index_cast %swap3A_928 : i32 to index
    %swap3A_930 = arith.constant 16 : index
    %swap3A_931 = tpu.vector_load %arg8[%swap3A_929, %swap3A_930] {strides = array<i32>} : memref<4x128xi32, #tpu.memory_space<vmem>>, vector<1x16xi32>,
    %swap3A_932 = vector.shape_cast %swap3A_931 : vector<1x16xi32> to vector<16xi32>
    %swap3A_933 = vector.shape_cast %add3A_927 : vector<16xi32> to vector<1x16xi32>
    tpu.vector_store %arg8[%swap3A_929, %swap3A_930], %swap3A_933 {strides = array<i32>} : memref<4x128xi32, #tpu.memory_space<vmem>>, vector<1x16xi32>,
    %get3A_934 = arith.constant 416 : index
    %get3A_935 = tpu.vector_load %arg6[%get3A_934] {strides = array<i32>} : memref<512xf32, #tpu.memory_space<vmem>>, vector<16xf32>,
    %get3A_936 = vector.shape_cast %get3A_935 : vector<16xf32> to vector<16xf32>
    %get3A_937 = arith.constant 416 : index
    %get3A_938 = tpu.vector_load %arg7[%get3A_937] {strides = array<i32>} : memref<512xf32, #tpu.memory_space<vmem>>, vector<16xf32>,
    %get3A_939 = vector.shape_cast %get3A_938 : vector<16xf32> to vector<16xf32>
    %mul3A_940 = arith.constant 4.096000e+03 : f32
    %mul3A_941 = vector.broadcast %mul3A_940 : f32 to vector<16xf32>
    %mul3A_942 = arith.mulf %get3A_936, %mul3A_941 : vector<16xf32>
    %convert_element_type3A_943 = arith.fptosi %mul3A_942 : vector<16xf32> to vector<16xi32>
    %max3A_944 = arith.constant 0 : i32
    %max3A_945 = vector.broadcast %max3A_944 : i32 to vector<16xi32>
    %max3A_946 = arith.maxsi %convert_element_type3A_943, %max3A_945 : vector<16xi32>
    %min3A_947 = arith.constant 4095 : i32
    %min3A_948 = vector.broadcast %min3A_947 : i32 to vector<16xi32>
    %min3A_949 = arith.minsi %max3A_946, %min3A_948 : vector<16xi32>
    %mul3A_950 = arith.constant 4.096000e+03 : f32
    %mul3A_951 = vector.broadcast %mul3A_950 : f32 to vector<16xf32>
    %mul3A_952 = arith.mulf %get3A_939, %mul3A_951 : vector<16xf32>
    %convert_element_type3A_953 = arith.fptosi %mul3A_952 : vector<16xf32> to vector<16xi32>
    %max3A_954 = arith.constant 0 : i32
    %max3A_955 = vector.broadcast %max3A_954 : i32 to vector<16xi32>
    %max3A_956 = arith.maxsi %convert_element_type3A_953, %max3A_955 : vector<16xi32>
    %min3A_957 = arith.constant 4095 : i32
    %min3A_958 = vector.broadcast %min3A_957 : i32 to vector<16xi32>
    %min3A_959 = arith.minsi %max3A_956, %min3A_958 : vector<16xi32>
    %mul3A_960 = arith.constant 4096 : i32
    %mul3A_961 = vector.broadcast %mul3A_960 : i32 to vector<16xi32>
    %mul3A_962 = arith.muli %min3A_949, %mul3A_961 : vector<16xi32>
    %add3A_963 = arith.addi %mul3A_962, %min3A_959 : vector<16xi32>
    %swap3A_964 = arith.constant 3 : i32
    %swap3A_965 = arith.index_cast %swap3A_964 : i32 to index
    %swap3A_966 = arith.constant 32 : index
    %swap3A_967 = tpu.vector_load %arg8[%swap3A_965, %swap3A_966] {strides = array<i32>} : memref<4x128xi32, #tpu.memory_space<vmem>>, vector<1x16xi32>,
    %swap3A_968 = vector.shape_cast %swap3A_967 : vector<1x16xi32> to vector<16xi32>
    %swap3A_969 = vector.shape_cast %add3A_963 : vector<16xi32> to vector<1x16xi32>
    tpu.vector_store %arg8[%swap3A_965, %swap3A_966], %swap3A_969 {strides = array<i32>} : memref<4x128xi32, #tpu.memory_space<vmem>>, vector<1x16xi32>,
    %get3A_970 = arith.constant 432 : index
    %get3A_971 = tpu.vector_load %arg6[%get3A_970] {strides = array<i32>} : memref<512xf32, #tpu.memory_space<vmem>>, vector<16xf32>,
    %get3A_972 = vector.shape_cast %get3A_971 : vector<16xf32> to vector<16xf32>
    %get3A_973 = arith.constant 432 : index
    %get3A_974 = tpu.vector_load %arg7[%get3A_973] {strides = array<i32>} : memref<512xf32, #tpu.memory_space<vmem>>, vector<16xf32>,
    %get3A_975 = vector.shape_cast %get3A_974 : vector<16xf32> to vector<16xf32>
    %mul3A_976 = arith.constant 4.096000e+03 : f32
    %mul3A_977 = vector.broadcast %mul3A_976 : f32 to vector<16xf32>
    %mul3A_978 = arith.mulf %get3A_972, %mul3A_977 : vector<16xf32>
    %convert_element_type3A_979 = arith.fptosi %mul3A_978 : vector<16xf32> to vector<16xi32>
    %max3A_980 = arith.constant 0 : i32
    %max3A_981 = vector.broadcast %max3A_980 : i32 to vector<16xi32>
    %max3A_982 = arith.maxsi %convert_element_type3A_979, %max3A_981 : vector<16xi32>
    %min3A_983 = arith.constant 4095 : i32
    %min3A_984 = vector.broadcast %min3A_983 : i32 to vector<16xi32>
    %min3A_985 = arith.minsi %max3A_982, %min3A_984 : vector<16xi32>
    %mul3A_986 = arith.constant 4.096000e+03 : f32
    %mul3A_987 = vector.broadcast %mul3A_986 : f32 to vector<16xf32>
    %mul3A_988 = arith.mulf %get3A_975, %mul3A_987 : vector<16xf32>
    %convert_element_type3A_989 = arith.fptosi %mul3A_988 : vector<16xf32> to vector<16xi32>
    %max3A_990 = arith.constant 0 : i32
    %max3A_991 = vector.broadcast %max3A_990 : i32 to vector<16xi32>
    %max3A_992 = arith.maxsi %convert_element_type3A_989, %max3A_991 : vector<16xi32>
    %min3A_993 = arith.constant 4095 : i32
    %min3A_994 = vector.broadcast %min3A_993 : i32 to vector<16xi32>
    %min3A_995 = arith.minsi %max3A_992, %min3A_994 : vector<16xi32>
    %mul3A_996 = arith.constant 4096 : i32
    %mul3A_997 = vector.broadcast %mul3A_996 : i32 to vector<16xi32>
    %mul3A_998 = arith.muli %min3A_985, %mul3A_997 : vector<16xi32>
    %add3A_999 = arith.addi %mul3A_998, %min3A_995 : vector<16xi32>
    %swap3A_1000 = arith.constant 3 : i32
    %swap3A_1001 = arith.index_cast %swap3A_1000 : i32 to index
    %swap3A_1002 = arith.constant 48 : index
    %swap3A_1003 = tpu.vector_load %arg8[%swap3A_1001, %swap3A_1002] {strides = array<i32>} : memref<4x128xi32, #tpu.memory_space<vmem>>, vector<1x16xi32>,
    %swap3A_1004 = vector.shape_cast %swap3A_1003 : vector<1x16xi32> to vector<16xi32>
    %swap3A_1005 = vector.shape_cast %add3A_999 : vector<16xi32> to vector<1x16xi32>
    tpu.vector_store %arg8[%swap3A_1001, %swap3A_1002], %swap3A_1005 {strides = array<i32>} : memref<4x128xi32, #tpu.memory_space<vmem>>, vector<1x16xi32>,
    %get3A_1006 = arith.constant 448 : index
    %get3A_1007 = tpu.vector_load %arg6[%get3A_1006] {strides = array<i32>} : memref<512xf32, #tpu.memory_space<vmem>>, vector<16xf32>,
    %get3A_1008 = vector.shape_cast %get3A_1007 : vector<16xf32> to vector<16xf32>
    %get3A_1009 = arith.constant 448 : index
    %get3A_1010 = tpu.vector_load %arg7[%get3A_1009] {strides = array<i32>} : memref<512xf32, #tpu.memory_space<vmem>>, vector<16xf32>,
    %get3A_1011 = vector.shape_cast %get3A_1010 : vector<16xf32> to vector<16xf32>
    %mul3A_1012 = arith.constant 4.096000e+03 : f32
    %mul3A_1013 = vector.broadcast %mul3A_1012 : f32 to vector<16xf32>
    %mul3A_1014 = arith.mulf %get3A_1008, %mul3A_1013 : vector<16xf32>
    %convert_element_type3A_1015 = arith.fptosi %mul3A_1014 : vector<16xf32> to vector<16xi32>
    %max3A_1016 = arith.constant 0 : i32
    %max3A_1017 = vector.broadcast %max3A_1016 : i32 to vector<16xi32>
    %max3A_1018 = arith.maxsi %convert_element_type3A_1015, %max3A_1017 : vector<16xi32>
    %min3A_1019 = arith.constant 4095 : i32
    %min3A_1020 = vector.broadcast %min3A_1019 : i32 to vector<16xi32>
    %min3A_1021 = arith.minsi %max3A_1018, %min3A_1020 : vector<16xi32>
    %mul3A_1022 = arith.constant 4.096000e+03 : f32
    %mul3A_1023 = vector.broadcast %mul3A_1022 : f32 to vector<16xf32>
    %mul3A_1024 = arith.mulf %get3A_1011, %mul3A_1023 : vector<16xf32>
    %convert_element_type3A_1025 = arith.fptosi %mul3A_1024 : vector<16xf32> to vector<16xi32>
    %max3A_1026 = arith.constant 0 : i32
    %max3A_1027 = vector.broadcast %max3A_1026 : i32 to vector<16xi32>
    %max3A_1028 = arith.maxsi %convert_element_type3A_1025, %max3A_1027 : vector<16xi32>
    %min3A_1029 = arith.constant 4095 : i32
    %min3A_1030 = vector.broadcast %min3A_1029 : i32 to vector<16xi32>
    %min3A_1031 = arith.minsi %max3A_1028, %min3A_1030 : vector<16xi32>
    %mul3A_1032 = arith.constant 4096 : i32
    %mul3A_1033 = vector.broadcast %mul3A_1032 : i32 to vector<16xi32>
    %mul3A_1034 = arith.muli %min3A_1021, %mul3A_1033 : vector<16xi32>
    %add3A_1035 = arith.addi %mul3A_1034, %min3A_1031 : vector<16xi32>
    %swap3A_1036 = arith.constant 3 : i32
    %swap3A_1037 = arith.index_cast %swap3A_1036 : i32 to index
    %swap3A_1038 = arith.constant 64 : index
    %swap3A_1039 = tpu.vector_load %arg8[%swap3A_1037, %swap3A_1038] {strides = array<i32>} : memref<4x128xi32, #tpu.memory_space<vmem>>, vector<1x16xi32>,
    %swap3A_1040 = vector.shape_cast %swap3A_1039 : vector<1x16xi32> to vector<16xi32>
    %swap3A_1041 = vector.shape_cast %add3A_1035 : vector<16xi32> to vector<1x16xi32>
    tpu.vector_store %arg8[%swap3A_1037, %swap3A_1038], %swap3A_1041 {strides = array<i32>} : memref<4x128xi32, #tpu.memory_space<vmem>>, vector<1x16xi32>,
    %get3A_1042 = arith.constant 464 : index
    %get3A_1043 = tpu.vector_load %arg6[%get3A_1042] {strides = array<i32>} : memref<512xf32, #tpu.memory_space<vmem>>, vector<16xf32>,
    %get3A_1044 = vector.shape_cast %get3A_1043 : vector<16xf32> to vector<16xf32>
    %get3A_1045 = arith.constant 464 : index
    %get3A_1046 = tpu.vector_load %arg7[%get3A_1045] {strides = array<i32>} : memref<512xf32, #tpu.memory_space<vmem>>, vector<16xf32>,
    %get3A_1047 = vector.shape_cast %get3A_1046 : vector<16xf32> to vector<16xf32>
    %mul3A_1048 = arith.constant 4.096000e+03 : f32
    %mul3A_1049 = vector.broadcast %mul3A_1048 : f32 to vector<16xf32>
    %mul3A_1050 = arith.mulf %get3A_1044, %mul3A_1049 : vector<16xf32>
    %convert_element_type3A_1051 = arith.fptosi %mul3A_1050 : vector<16xf32> to vector<16xi32>
    %max3A_1052 = arith.constant 0 : i32
    %max3A_1053 = vector.broadcast %max3A_1052 : i32 to vector<16xi32>
    %max3A_1054 = arith.maxsi %convert_element_type3A_1051, %max3A_1053 : vector<16xi32>
    %min3A_1055 = arith.constant 4095 : i32
    %min3A_1056 = vector.broadcast %min3A_1055 : i32 to vector<16xi32>
    %min3A_1057 = arith.minsi %max3A_1054, %min3A_1056 : vector<16xi32>
    %mul3A_1058 = arith.constant 4.096000e+03 : f32
    %mul3A_1059 = vector.broadcast %mul3A_1058 : f32 to vector<16xf32>
    %mul3A_1060 = arith.mulf %get3A_1047, %mul3A_1059 : vector<16xf32>
    %convert_element_type3A_1061 = arith.fptosi %mul3A_1060 : vector<16xf32> to vector<16xi32>
    %max3A_1062 = arith.constant 0 : i32
    %max3A_1063 = vector.broadcast %max3A_1062 : i32 to vector<16xi32>
    %max3A_1064 = arith.maxsi %convert_element_type3A_1061, %max3A_1063 : vector<16xi32>
    %min3A_1065 = arith.constant 4095 : i32
    %min3A_1066 = vector.broadcast %min3A_1065 : i32 to vector<16xi32>
    %min3A_1067 = arith.minsi %max3A_1064, %min3A_1066 : vector<16xi32>
    %mul3A_1068 = arith.constant 4096 : i32
    %mul3A_1069 = vector.broadcast %mul3A_1068 : i32 to vector<16xi32>
    %mul3A_1070 = arith.muli %min3A_1057, %mul3A_1069 : vector<16xi32>
    %add3A_1071 = arith.addi %mul3A_1070, %min3A_1067 : vector<16xi32>
    %swap3A_1072 = arith.constant 3 : i32
    %swap3A_1073 = arith.index_cast %swap3A_1072 : i32 to index
    %swap3A_1074 = arith.constant 80 : index
    %swap3A_1075 = tpu.vector_load %arg8[%swap3A_1073, %swap3A_1074] {strides = array<i32>} : memref<4x128xi32, #tpu.memory_space<vmem>>, vector<1x16xi32>,
    %swap3A_1076 = vector.shape_cast %swap3A_1075 : vector<1x16xi32> to vector<16xi32>
    %swap3A_1077 = vector.shape_cast %add3A_1071 : vector<16xi32> to vector<1x16xi32>
    tpu.vector_store %arg8[%swap3A_1073, %swap3A_1074], %swap3A_1077 {strides = array<i32>} : memref<4x128xi32, #tpu.memory_space<vmem>>, vector<1x16xi32>,
    %get3A_1078 = arith.constant 480 : index
    %get3A_1079 = tpu.vector_load %arg6[%get3A_1078] {strides = array<i32>} : memref<512xf32, #tpu.memory_space<vmem>>, vector<16xf32>,
    %get3A_1080 = vector.shape_cast %get3A_1079 : vector<16xf32> to vector<16xf32>
    %get3A_1081 = arith.constant 480 : index
    %get3A_1082 = tpu.vector_load %arg7[%get3A_1081] {strides = array<i32>} : memref<512xf32, #tpu.memory_space<vmem>>, vector<16xf32>,
    %get3A_1083 = vector.shape_cast %get3A_1082 : vector<16xf32> to vector<16xf32>
    %mul3A_1084 = arith.constant 4.096000e+03 : f32
    %mul3A_1085 = vector.broadcast %mul3A_1084 : f32 to vector<16xf32>
    %mul3A_1086 = arith.mulf %get3A_1080, %mul3A_1085 : vector<16xf32>
    %convert_element_type3A_1087 = arith.fptosi %mul3A_1086 : vector<16xf32> to vector<16xi32>
    %max3A_1088 = arith.constant 0 : i32
    %max3A_1089 = vector.broadcast %max3A_1088 : i32 to vector<16xi32>
    %max3A_1090 = arith.maxsi %convert_element_type3A_1087, %max3A_1089 : vector<16xi32>
    %min3A_1091 = arith.constant 4095 : i32
    %min3A_1092 = vector.broadcast %min3A_1091 : i32 to vector<16xi32>
    %min3A_1093 = arith.minsi %max3A_1090, %min3A_1092 : vector<16xi32>
    %mul3A_1094 = arith.constant 4.096000e+03 : f32
    %mul3A_1095 = vector.broadcast %mul3A_1094 : f32 to vector<16xf32>
    %mul3A_1096 = arith.mulf %get3A_1083, %mul3A_1095 : vector<16xf32>
    %convert_element_type3A_1097 = arith.fptosi %mul3A_1096 : vector<16xf32> to vector<16xi32>
    %max3A_1098 = arith.constant 0 : i32
    %max3A_1099 = vector.broadcast %max3A_1098 : i32 to vector<16xi32>
    %max3A_1100 = arith.maxsi %convert_element_type3A_1097, %max3A_1099 : vector<16xi32>
    %min3A_1101 = arith.constant 4095 : i32
    %min3A_1102 = vector.broadcast %min3A_1101 : i32 to vector<16xi32>
    %min3A_1103 = arith.minsi %max3A_1100, %min3A_1102 : vector<16xi32>
    %mul3A_1104 = arith.constant 4096 : i32
    %mul3A_1105 = vector.broadcast %mul3A_1104 : i32 to vector<16xi32>
    %mul3A_1106 = arith.muli %min3A_1093, %mul3A_1105 : vector<16xi32>
    %add3A_1107 = arith.addi %mul3A_1106, %min3A_1103 : vector<16xi32>
    %swap3A_1108 = arith.constant 3 : i32
    %swap3A_1109 = arith.index_cast %swap3A_1108 : i32 to index
    %swap3A_1110 = arith.constant 96 : index
    %swap3A_1111 = tpu.vector_load %arg8[%swap3A_1109, %swap3A_1110] {strides = array<i32>} : memref<4x128xi32, #tpu.memory_space<vmem>>, vector<1x16xi32>,
    %swap3A_1112 = vector.shape_cast %swap3A_1111 : vector<1x16xi32> to vector<16xi32>
    %swap3A_1113 = vector.shape_cast %add3A_1107 : vector<16xi32> to vector<1x16xi32>
    tpu.vector_store %arg8[%swap3A_1109, %swap3A_1110], %swap3A_1113 {strides = array<i32>} : memref<4x128xi32, #tpu.memory_space<vmem>>, vector<1x16xi32>,
    %get3A_1114 = arith.constant 496 : index
    %get3A_1115 = tpu.vector_load %arg6[%get3A_1114] {strides = array<i32>} : memref<512xf32, #tpu.memory_space<vmem>>, vector<16xf32>,
    %get3A_1116 = vector.shape_cast %get3A_1115 : vector<16xf32> to vector<16xf32>
    %get3A_1117 = arith.constant 496 : index
    %get3A_1118 = tpu.vector_load %arg7[%get3A_1117] {strides = array<i32>} : memref<512xf32, #tpu.memory_space<vmem>>, vector<16xf32>,
    %get3A_1119 = vector.shape_cast %get3A_1118 : vector<16xf32> to vector<16xf32>
    %mul3A_1120 = arith.constant 4.096000e+03 : f32
    %mul3A_1121 = vector.broadcast %mul3A_1120 : f32 to vector<16xf32>
    %mul3A_1122 = arith.mulf %get3A_1116, %mul3A_1121 : vector<16xf32>
    %convert_element_type3A_1123 = arith.fptosi %mul3A_1122 : vector<16xf32> to vector<16xi32>
    %max3A_1124 = arith.constant 0 : i32
    %max3A_1125 = vector.broadcast %max3A_1124 : i32 to vector<16xi32>
    %max3A_1126 = arith.maxsi %convert_element_type3A_1123, %max3A_1125 : vector<16xi32>
    %min3A_1127 = arith.constant 4095 : i32
    %min3A_1128 = vector.broadcast %min3A_1127 : i32 to vector<16xi32>
    %min3A_1129 = arith.minsi %max3A_1126, %min3A_1128 : vector<16xi32>
    %mul3A_1130 = arith.constant 4.096000e+03 : f32
    %mul3A_1131 = vector.broadcast %mul3A_1130 : f32 to vector<16xf32>
    %mul3A_1132 = arith.mulf %get3A_1119, %mul3A_1131 : vector<16xf32>
    %convert_element_type3A_1133 = arith.fptosi %mul3A_1132 : vector<16xf32> to vector<16xi32>
    %max3A_1134 = arith.constant 0 : i32
    %max3A_1135 = vector.broadcast %max3A_1134 : i32 to vector<16xi32>
    %max3A_1136 = arith.maxsi %convert_element_type3A_1133, %max3A_1135 : vector<16xi32>
    %min3A_1137 = arith.constant 4095 : i32
    %min3A_1138 = vector.broadcast %min3A_1137 : i32 to vector<16xi32>
    %min3A_1139 = arith.minsi %max3A_1136, %min3A_1138 : vector<16xi32>
    %mul3A_1140 = arith.constant 4096 : i32
    %mul3A_1141 = vector.broadcast %mul3A_1140 : i32 to vector<16xi32>
    %mul3A_1142 = arith.muli %min3A_1129, %mul3A_1141 : vector<16xi32>
    %add3A_1143 = arith.addi %mul3A_1142, %min3A_1139 : vector<16xi32>
    %swap3A_1144 = arith.constant 3 : i32
    %swap3A_1145 = arith.index_cast %swap3A_1144 : i32 to index
    %swap3A_1146 = arith.constant 112 : index
    %swap3A_1147 = tpu.vector_load %arg8[%swap3A_1145, %swap3A_1146] {strides = array<i32>} : memref<4x128xi32, #tpu.memory_space<vmem>>, vector<1x16xi32>,
    %swap3A_1148 = vector.shape_cast %swap3A_1147 : vector<1x16xi32> to vector<16xi32>
    %swap3A_1149 = vector.shape_cast %add3A_1143 : vector<16xi32> to vector<1x16xi32>
    tpu.vector_store %arg8[%swap3A_1145, %swap3A_1146], %swap3A_1149 {strides = array<i32>} : memref<4x128xi32, #tpu.memory_space<vmem>>, vector<1x16xi32>,
    %dma_start3A = arith.constant 0 : i32
    %dma_start3A_1150 = arith.constant 0 : i32
    %dma_start3A_1151 = arith.constant 0 : i32
    %dma_start3A_1152 = tpu.memref_slice %arg9[%dma_start3A_1150, %dma_start3A_1151] : memref<4x128xf32, #tpu.memory_space<vmem>> -> memref<1x128xf32, #tpu.memory_space<vmem>>
    %dma_start3A_1153 = tpu.memref_squeeze %dma_start3A_1152 : memref<1x128xf32, #tpu.memory_space<vmem>> -> memref<128xf32, #tpu.memory_space<vmem>>
    %dma_start3A_1154 = arith.constant 0 : i32
    %dma_start3A_1155 = tpu.memref_slice %arg8[%dma_start3A, %dma_start3A_1154] : memref<4x128xi32, #tpu.memory_space<vmem>> -> memref<1x128xi32, #tpu.memory_space<vmem>>
    %dma_start3A_1156 = tpu.memref_squeeze %dma_start3A_1155 : memref<1x128xi32, #tpu.memory_space<vmem>> -> memref<128xi32, #tpu.memory_space<vmem>>
    %dma_start3A_1157 = arith.constant 0 : i32
    %dma_start3A_1158 = tpu.memref_slice %arg4[%dma_start3A_1157] : memref<16777216xf32, #tpu.memory_space<hbm>> -> memref<16777216xf32, #tpu.memory_space<hbm>>
    tpu.enqueue_indirect_dma source(%dma_start3A_1158 : memref<16777216xf32, #tpu.memory_space<hbm>>) target(%dma_start3A_1153 : memref<128xf32, #tpu.memory_space<vmem>>) offsets(%dma_start3A_1156 : memref<128xi32, #tpu.memory_space<vmem>>) semaphore(%arg10 : memref<!tpu.dma_semaphore, #tpu.memory_space<semaphore_mem>>)
    %dma_start3A_1159 = arith.constant 1 : i32
    %dma_start3A_1160 = arith.constant 1 : i32
    %dma_start3A_1161 = arith.constant 0 : i32
    %dma_start3A_1162 = tpu.memref_slice %arg9[%dma_start3A_1160, %dma_start3A_1161] : memref<4x128xf32, #tpu.memory_space<vmem>> -> memref<1x128xf32, #tpu.memory_space<vmem>>
    %dma_start3A_1163 = tpu.memref_squeeze %dma_start3A_1162 : memref<1x128xf32, #tpu.memory_space<vmem>> -> memref<128xf32, #tpu.memory_space<vmem>>
    %dma_start3A_1164 = arith.constant 0 : i32
    %dma_start3A_1165 = tpu.memref_slice %arg8[%dma_start3A_1159, %dma_start3A_1164] : memref<4x128xi32, #tpu.memory_space<vmem>> -> memref<1x128xi32, #tpu.memory_space<vmem>>
    %dma_start3A_1166 = tpu.memref_squeeze %dma_start3A_1165 : memref<1x128xi32, #tpu.memory_space<vmem>> -> memref<128xi32, #tpu.memory_space<vmem>>
    %dma_start3A_1167 = arith.constant 0 : i32
    %dma_start3A_1168 = tpu.memref_slice %arg4[%dma_start3A_1167] : memref<16777216xf32, #tpu.memory_space<hbm>> -> memref<16777216xf32, #tpu.memory_space<hbm>>
    tpu.enqueue_indirect_dma source(%dma_start3A_1168 : memref<16777216xf32, #tpu.memory_space<hbm>>) target(%dma_start3A_1163 : memref<128xf32, #tpu.memory_space<vmem>>) offsets(%dma_start3A_1166 : memref<128xi32, #tpu.memory_space<vmem>>) semaphore(%arg10 : memref<!tpu.dma_semaphore, #tpu.memory_space<semaphore_mem>>)
    %dma_start3A_1169 = arith.constant 2 : i32
    %dma_start3A_1170 = arith.constant 2 : i32
    %dma_start3A_1171 = arith.constant 0 : i32
    %dma_start3A_1172 = tpu.memref_slice %arg9[%dma_start3A_1170, %dma_start3A_1171] : memref<4x128xf32, #tpu.memory_space<vmem>> -> memref<1x128xf32, #tpu.memory_space<vmem>>
    %dma_start3A_1173 = tpu.memref_squeeze %dma_start3A_1172 : memref<1x128xf32, #tpu.memory_space<vmem>> -> memref<128xf32, #tpu.memory_space<vmem>>
    %dma_start3A_1174 = arith.constant 0 : i32
    %dma_start3A_1175 = tpu.memref_slice %arg8[%dma_start3A_1169, %dma_start3A_1174] : memref<4x128xi32, #tpu.memory_space<vmem>> -> memref<1x128xi32, #tpu.memory_space<vmem>>
    %dma_start3A_1176 = tpu.memref_squeeze %dma_start3A_1175 : memref<1x128xi32, #tpu.memory_space<vmem>> -> memref<128xi32, #tpu.memory_space<vmem>>
    %dma_start3A_1177 = arith.constant 0 : i32
    %dma_start3A_1178 = tpu.memref_slice %arg4[%dma_start3A_1177] : memref<16777216xf32, #tpu.memory_space<hbm>> -> memref<16777216xf32, #tpu.memory_space<hbm>>
    tpu.enqueue_indirect_dma source(%dma_start3A_1178 : memref<16777216xf32, #tpu.memory_space<hbm>>) target(%dma_start3A_1173 : memref<128xf32, #tpu.memory_space<vmem>>) offsets(%dma_start3A_1176 : memref<128xi32, #tpu.memory_space<vmem>>) semaphore(%arg10 : memref<!tpu.dma_semaphore, #tpu.memory_space<semaphore_mem>>)
    %dma_start3A_1179 = arith.constant 3 : i32
    %dma_start3A_1180 = arith.constant 3 : i32
    %dma_start3A_1181 = arith.constant 0 : i32
    %dma_start3A_1182 = tpu.memref_slice %arg9[%dma_start3A_1180, %dma_start3A_1181] : memref<4x128xf32, #tpu.memory_space<vmem>> -> memref<1x128xf32, #tpu.memory_space<vmem>>
    %dma_start3A_1183 = tpu.memref_squeeze %dma_start3A_1182 : memref<1x128xf32, #tpu.memory_space<vmem>> -> memref<128xf32, #tpu.memory_space<vmem>>
    %dma_start3A_1184 = arith.constant 0 : i32
    %dma_start3A_1185 = tpu.memref_slice %arg8[%dma_start3A_1179, %dma_start3A_1184] : memref<4x128xi32, #tpu.memory_space<vmem>> -> memref<1x128xi32, #tpu.memory_space<vmem>>
    %dma_start3A_1186 = tpu.memref_squeeze %dma_start3A_1185 : memref<1x128xi32, #tpu.memory_space<vmem>> -> memref<128xi32, #tpu.memory_space<vmem>>
    %dma_start3A_1187 = arith.constant 0 : i32
    %dma_start3A_1188 = tpu.memref_slice %arg4[%dma_start3A_1187] : memref<16777216xf32, #tpu.memory_space<hbm>> -> memref<16777216xf32, #tpu.memory_space<hbm>>
    tpu.enqueue_indirect_dma source(%dma_start3A_1188 : memref<16777216xf32, #tpu.memory_space<hbm>>) target(%dma_start3A_1183 : memref<128xf32, #tpu.memory_space<vmem>>) offsets(%dma_start3A_1186 : memref<128xi32, #tpu.memory_space<vmem>>) semaphore(%arg10 : memref<!tpu.dma_semaphore, #tpu.memory_space<semaphore_mem>>)
    %dma_wait3A = arith.constant 0 : i32
    %dma_wait3A_1189 = arith.constant 0 : i32
    %dma_wait3A_1190 = arith.constant 0 : i32
    %dma_wait3A_1191 = tpu.memref_slice %arg9[%dma_wait3A_1189, %dma_wait3A_1190] : memref<4x128xf32, #tpu.memory_space<vmem>> -> memref<1x128xf32, #tpu.memory_space<vmem>>
    %dma_wait3A_1192 = tpu.memref_squeeze %dma_wait3A_1191 : memref<1x128xf32, #tpu.memory_space<vmem>> -> memref<128xf32, #tpu.memory_space<vmem>>
    %dma_wait3A_1193 = arith.constant 0 : i32
    %dma_wait3A_1194 = tpu.memref_slice %arg8[%dma_wait3A, %dma_wait3A_1193] : memref<4x128xi32, #tpu.memory_space<vmem>> -> memref<1x128xi32, #tpu.memory_space<vmem>>
    %dma_wait3A_1195 = tpu.memref_squeeze %dma_wait3A_1194 : memref<1x128xi32, #tpu.memory_space<vmem>> -> memref<128xi32, #tpu.memory_space<vmem>>
    %dma_wait3A_1196 = arith.constant 0 : i32
    %dma_wait3A_1197 = tpu.memref_slice %arg4[%dma_wait3A_1196] : memref<16777216xf32, #tpu.memory_space<hbm>> -> memref<16777216xf32, #tpu.memory_space<hbm>>
    tpu.wait_indirect_dma semaphore(%arg10 : memref<!tpu.dma_semaphore, #tpu.memory_space<semaphore_mem>>) src(%dma_wait3A_1197 : memref<16777216xf32, #tpu.memory_space<hbm>>) dst(%dma_wait3A_1192 : memref<128xf32, #tpu.memory_space<vmem>>)
    %dma_wait3A_1198 = arith.constant 1 : i32
    %dma_wait3A_1199 = arith.constant 1 : i32
    %dma_wait3A_1200 = arith.constant 0 : i32
    %dma_wait3A_1201 = tpu.memref_slice %arg9[%dma_wait3A_1199, %dma_wait3A_1200] : memref<4x128xf32, #tpu.memory_space<vmem>> -> memref<1x128xf32, #tpu.memory_space<vmem>>
    %dma_wait3A_1202 = tpu.memref_squeeze %dma_wait3A_1201 : memref<1x128xf32, #tpu.memory_space<vmem>> -> memref<128xf32, #tpu.memory_space<vmem>>
    %dma_wait3A_1203 = arith.constant 0 : i32
    %dma_wait3A_1204 = tpu.memref_slice %arg8[%dma_wait3A_1198, %dma_wait3A_1203] : memref<4x128xi32, #tpu.memory_space<vmem>> -> memref<1x128xi32, #tpu.memory_space<vmem>>
    %dma_wait3A_1205 = tpu.memref_squeeze %dma_wait3A_1204 : memref<1x128xi32, #tpu.memory_space<vmem>> -> memref<128xi32, #tpu.memory_space<vmem>>
    %dma_wait3A_1206 = arith.constant 0 : i32
    %dma_wait3A_1207 = tpu.memref_slice %arg4[%dma_wait3A_1206] : memref<16777216xf32, #tpu.memory_space<hbm>> -> memref<16777216xf32, #tpu.memory_space<hbm>>
    tpu.wait_indirect_dma semaphore(%arg10 : memref<!tpu.dma_semaphore, #tpu.memory_space<semaphore_mem>>) src(%dma_wait3A_1207 : memref<16777216xf32, #tpu.memory_space<hbm>>) dst(%dma_wait3A_1202 : memref<128xf32, #tpu.memory_space<vmem>>)
    %dma_wait3A_1208 = arith.constant 2 : i32
    %dma_wait3A_1209 = arith.constant 2 : i32
    %dma_wait3A_1210 = arith.constant 0 : i32
    %dma_wait3A_1211 = tpu.memref_slice %arg9[%dma_wait3A_1209, %dma_wait3A_1210] : memref<4x128xf32, #tpu.memory_space<vmem>> -> memref<1x128xf32, #tpu.memory_space<vmem>>
    %dma_wait3A_1212 = tpu.memref_squeeze %dma_wait3A_1211 : memref<1x128xf32, #tpu.memory_space<vmem>> -> memref<128xf32, #tpu.memory_space<vmem>>
    %dma_wait3A_1213 = arith.constant 0 : i32
    %dma_wait3A_1214 = tpu.memref_slice %arg8[%dma_wait3A_1208, %dma_wait3A_1213] : memref<4x128xi32, #tpu.memory_space<vmem>> -> memref<1x128xi32, #tpu.memory_space<vmem>>
    %dma_wait3A_1215 = tpu.memref_squeeze %dma_wait3A_1214 : memref<1x128xi32, #tpu.memory_space<vmem>> -> memref<128xi32, #tpu.memory_space<vmem>>
    %dma_wait3A_1216 = arith.constant 0 : i32
    %dma_wait3A_1217 = tpu.memref_slice %arg4[%dma_wait3A_1216] : memref<16777216xf32, #tpu.memory_space<hbm>> -> memref<16777216xf32, #tpu.memory_space<hbm>>
    tpu.wait_indirect_dma semaphore(%arg10 : memref<!tpu.dma_semaphore, #tpu.memory_space<semaphore_mem>>) src(%dma_wait3A_1217 : memref<16777216xf32, #tpu.memory_space<hbm>>) dst(%dma_wait3A_1212 : memref<128xf32, #tpu.memory_space<vmem>>)
    %dma_wait3A_1218 = arith.constant 3 : i32
    %dma_wait3A_1219 = arith.constant 3 : i32
    %dma_wait3A_1220 = arith.constant 0 : i32
    %dma_wait3A_1221 = tpu.memref_slice %arg9[%dma_wait3A_1219, %dma_wait3A_1220] : memref<4x128xf32, #tpu.memory_space<vmem>> -> memref<1x128xf32, #tpu.memory_space<vmem>>
    %dma_wait3A_1222 = tpu.memref_squeeze %dma_wait3A_1221 : memref<1x128xf32, #tpu.memory_space<vmem>> -> memref<128xf32, #tpu.memory_space<vmem>>
    %dma_wait3A_1223 = arith.constant 0 : i32
    %dma_wait3A_1224 = tpu.memref_slice %arg8[%dma_wait3A_1218, %dma_wait3A_1223] : memref<4x128xi32, #tpu.memory_space<vmem>> -> memref<1x128xi32, #tpu.memory_space<vmem>>
    %dma_wait3A_1225 = tpu.memref_squeeze %dma_wait3A_1224 : memref<1x128xi32, #tpu.memory_space<vmem>> -> memref<128xi32, #tpu.memory_space<vmem>>
    %dma_wait3A_1226 = arith.constant 0 : i32
    %dma_wait3A_1227 = tpu.memref_slice %arg4[%dma_wait3A_1226] : memref<16777216xf32, #tpu.memory_space<hbm>> -> memref<16777216xf32, #tpu.memory_space<hbm>>
    tpu.wait_indirect_dma semaphore(%arg10 : memref<!tpu.dma_semaphore, #tpu.memory_space<semaphore_mem>>) src(%dma_wait3A_1227 : memref<16777216xf32, #tpu.memory_space<hbm>>) dst(%dma_wait3A_1222 : memref<128xf32, #tpu.memory_space<vmem>>)
    %add3A_1228 = arith.constant 0 : i32
    %add3A_1229 = arith.addi %mul3A_2, %add3A_1228 : i32
    %run_scoped3A = arith.constant 0 : i32
    "tpu.region"() ({
      %run_scoped3A_1239 = tpu.sem_alloc : memref<!tpu.dma_semaphore, #tpu.memory_space<semaphore_mem>>
      %dma_start3A_1240 = arith.constant 0 : i32
      %dma_start3A_1241 = tpu.memref_slice %arg9[%run_scoped3A, %dma_start3A_1240] : memref<4x128xf32, #tpu.memory_space<vmem>> -> memref<1x128xf32, #tpu.memory_space<vmem>>
      %dma_start3A_1242 = tpu.memref_squeeze %dma_start3A_1241 : memref<1x128xf32, #tpu.memory_space<vmem>> -> memref<128xf32, #tpu.memory_space<vmem>>
      %dma_start3A_1243 = tpu.memref_slice %arg5[%add3A_1229] : memref<16384xf32, #tpu.memory_space<hbm>> -> memref<128xf32, #tpu.memory_space<hbm>>
      %dma_start3A_1244 = tpu.memref_slice %arg5[%add3A_1229] : memref<16384xf32, #tpu.memory_space<hbm>> -> memref<128xf32, #tpu.memory_space<hbm>>
      %dma_start3A_1245 = arith.constant 0 : i32
      %dma_start3A_1246 = tpu.memref_slice %arg9[%run_scoped3A, %dma_start3A_1245] : memref<4x128xf32, #tpu.memory_space<vmem>> -> memref<1x128xf32, #tpu.memory_space<vmem>>
      %dma_start3A_1247 = tpu.memref_squeeze %dma_start3A_1246 : memref<1x128xf32, #tpu.memory_space<vmem>> -> memref<128xf32, #tpu.memory_space<vmem>>
      tpu.enqueue_dma source(%dma_start3A_1247 : memref<128xf32, #tpu.memory_space<vmem>>) target(%dma_start3A_1244 : memref<128xf32, #tpu.memory_space<hbm>>) target_semaphore(%run_scoped3A_1239 : memref<!tpu.dma_semaphore, #tpu.memory_space<semaphore_mem>>)
      %dma_wait3A_1248 = arith.constant 0 : i32
      %dma_wait3A_1249 = tpu.memref_slice %arg9[%run_scoped3A, %dma_wait3A_1248] : memref<4x128xf32, #tpu.memory_space<vmem>> -> memref<1x128xf32, #tpu.memory_space<vmem>>
      %dma_wait3A_1250 = tpu.memref_squeeze %dma_wait3A_1249 : memref<1x128xf32, #tpu.memory_space<vmem>> -> memref<128xf32, #tpu.memory_space<vmem>>
      %dma_wait3A_1251 = tpu.memref_slice %arg5[%add3A_1229] : memref<16384xf32, #tpu.memory_space<hbm>> -> memref<128xf32, #tpu.memory_space<hbm>>
      %dma_wait3A_1252 = tpu.memref_slice %arg5[%add3A_1229] : memref<16384xf32, #tpu.memory_space<hbm>> -> memref<128xf32, #tpu.memory_space<hbm>>
      %dma_wait3A_1253 = arith.constant 0 : i32
      %dma_wait3A_1254 = tpu.memref_slice %arg9[%run_scoped3A, %dma_wait3A_1253] : memref<4x128xf32, #tpu.memory_space<vmem>> -> memref<1x128xf32, #tpu.memory_space<vmem>>
      %dma_wait3A_1255 = tpu.memref_squeeze %dma_wait3A_1254 : memref<1x128xf32, #tpu.memory_space<vmem>> -> memref<128xf32, #tpu.memory_space<vmem>>
      tpu.wait_dma2 semaphore(%run_scoped3A_1239 : memref<!tpu.dma_semaphore, #tpu.memory_space<semaphore_mem>>) src(%dma_wait3A_1255 : memref<128xf32, #tpu.memory_space<vmem>>) dst(%dma_wait3A_1252 : memref<128xf32, #tpu.memory_space<hbm>>)
      tpu.yield
    }) : () -> ()
    %add3A_1230 = arith.constant 128 : i32
    %add3A_1231 = arith.addi %mul3A_2, %add3A_1230 : i32
    %run_scoped3A_1232 = arith.constant 1 : i32
    "tpu.region"() ({
      %run_scoped3A_1239 = tpu.sem_alloc : memref<!tpu.dma_semaphore, #tpu.memory_space<semaphore_mem>>
      %dma_start3A_1240 = arith.constant 0 : i32
      %dma_start3A_1241 = tpu.memref_slice %arg9[%run_scoped3A_1232, %dma_start3A_1240] : memref<4x128xf32, #tpu.memory_space<vmem>> -> memref<1x128xf32, #tpu.memory_space<vmem>>
      %dma_start3A_1242 = tpu.memref_squeeze %dma_start3A_1241 : memref<1x128xf32, #tpu.memory_space<vmem>> -> memref<128xf32, #tpu.memory_space<vmem>>
      %dma_start3A_1243 = tpu.memref_slice %arg5[%add3A_1231] : memref<16384xf32, #tpu.memory_space<hbm>> -> memref<128xf32, #tpu.memory_space<hbm>>
      %dma_start3A_1244 = tpu.memref_slice %arg5[%add3A_1231] : memref<16384xf32, #tpu.memory_space<hbm>> -> memref<128xf32, #tpu.memory_space<hbm>>
      %dma_start3A_1245 = arith.constant 0 : i32
      %dma_start3A_1246 = tpu.memref_slice %arg9[%run_scoped3A_1232, %dma_start3A_1245] : memref<4x128xf32, #tpu.memory_space<vmem>> -> memref<1x128xf32, #tpu.memory_space<vmem>>
      %dma_start3A_1247 = tpu.memref_squeeze %dma_start3A_1246 : memref<1x128xf32, #tpu.memory_space<vmem>> -> memref<128xf32, #tpu.memory_space<vmem>>
      tpu.enqueue_dma source(%dma_start3A_1247 : memref<128xf32, #tpu.memory_space<vmem>>) target(%dma_start3A_1244 : memref<128xf32, #tpu.memory_space<hbm>>) target_semaphore(%run_scoped3A_1239 : memref<!tpu.dma_semaphore, #tpu.memory_space<semaphore_mem>>)
      %dma_wait3A_1248 = arith.constant 0 : i32
      %dma_wait3A_1249 = tpu.memref_slice %arg9[%run_scoped3A_1232, %dma_wait3A_1248] : memref<4x128xf32, #tpu.memory_space<vmem>> -> memref<1x128xf32, #tpu.memory_space<vmem>>
      %dma_wait3A_1250 = tpu.memref_squeeze %dma_wait3A_1249 : memref<1x128xf32, #tpu.memory_space<vmem>> -> memref<128xf32, #tpu.memory_space<vmem>>
      %dma_wait3A_1251 = tpu.memref_slice %arg5[%add3A_1231] : memref<16384xf32, #tpu.memory_space<hbm>> -> memref<128xf32, #tpu.memory_space<hbm>>
      %dma_wait3A_1252 = tpu.memref_slice %arg5[%add3A_1231] : memref<16384xf32, #tpu.memory_space<hbm>> -> memref<128xf32, #tpu.memory_space<hbm>>
      %dma_wait3A_1253 = arith.constant 0 : i32
      %dma_wait3A_1254 = tpu.memref_slice %arg9[%run_scoped3A_1232, %dma_wait3A_1253] : memref<4x128xf32, #tpu.memory_space<vmem>> -> memref<1x128xf32, #tpu.memory_space<vmem>>
      %dma_wait3A_1255 = tpu.memref_squeeze %dma_wait3A_1254 : memref<1x128xf32, #tpu.memory_space<vmem>> -> memref<128xf32, #tpu.memory_space<vmem>>
      tpu.wait_dma2 semaphore(%run_scoped3A_1239 : memref<!tpu.dma_semaphore, #tpu.memory_space<semaphore_mem>>) src(%dma_wait3A_1255 : memref<128xf32, #tpu.memory_space<vmem>>) dst(%dma_wait3A_1252 : memref<128xf32, #tpu.memory_space<hbm>>)
      tpu.yield
    }) : () -> ()
    %add3A_1233 = arith.constant 256 : i32
    %add3A_1234 = arith.addi %mul3A_2, %add3A_1233 : i32
    %run_scoped3A_1235 = arith.constant 2 : i32
    "tpu.region"() ({
      %run_scoped3A_1239 = tpu.sem_alloc : memref<!tpu.dma_semaphore, #tpu.memory_space<semaphore_mem>>
      %dma_start3A_1240 = arith.constant 0 : i32
      %dma_start3A_1241 = tpu.memref_slice %arg9[%run_scoped3A_1235, %dma_start3A_1240] : memref<4x128xf32, #tpu.memory_space<vmem>> -> memref<1x128xf32, #tpu.memory_space<vmem>>
      %dma_start3A_1242 = tpu.memref_squeeze %dma_start3A_1241 : memref<1x128xf32, #tpu.memory_space<vmem>> -> memref<128xf32, #tpu.memory_space<vmem>>
      %dma_start3A_1243 = tpu.memref_slice %arg5[%add3A_1234] : memref<16384xf32, #tpu.memory_space<hbm>> -> memref<128xf32, #tpu.memory_space<hbm>>
      %dma_start3A_1244 = tpu.memref_slice %arg5[%add3A_1234] : memref<16384xf32, #tpu.memory_space<hbm>> -> memref<128xf32, #tpu.memory_space<hbm>>
      %dma_start3A_1245 = arith.constant 0 : i32
      %dma_start3A_1246 = tpu.memref_slice %arg9[%run_scoped3A_1235, %dma_start3A_1245] : memref<4x128xf32, #tpu.memory_space<vmem>> -> memref<1x128xf32, #tpu.memory_space<vmem>>
      %dma_start3A_1247 = tpu.memref_squeeze %dma_start3A_1246 : memref<1x128xf32, #tpu.memory_space<vmem>> -> memref<128xf32, #tpu.memory_space<vmem>>
      tpu.enqueue_dma source(%dma_start3A_1247 : memref<128xf32, #tpu.memory_space<vmem>>) target(%dma_start3A_1244 : memref<128xf32, #tpu.memory_space<hbm>>) target_semaphore(%run_scoped3A_1239 : memref<!tpu.dma_semaphore, #tpu.memory_space<semaphore_mem>>)
      %dma_wait3A_1248 = arith.constant 0 : i32
      %dma_wait3A_1249 = tpu.memref_slice %arg9[%run_scoped3A_1235, %dma_wait3A_1248] : memref<4x128xf32, #tpu.memory_space<vmem>> -> memref<1x128xf32, #tpu.memory_space<vmem>>
      %dma_wait3A_1250 = tpu.memref_squeeze %dma_wait3A_1249 : memref<1x128xf32, #tpu.memory_space<vmem>> -> memref<128xf32, #tpu.memory_space<vmem>>
      %dma_wait3A_1251 = tpu.memref_slice %arg5[%add3A_1234] : memref<16384xf32, #tpu.memory_space<hbm>> -> memref<128xf32, #tpu.memory_space<hbm>>
      %dma_wait3A_1252 = tpu.memref_slice %arg5[%add3A_1234] : memref<16384xf32, #tpu.memory_space<hbm>> -> memref<128xf32, #tpu.memory_space<hbm>>
      %dma_wait3A_1253 = arith.constant 0 : i32
      %dma_wait3A_1254 = tpu.memref_slice %arg9[%run_scoped3A_1235, %dma_wait3A_1253] : memref<4x128xf32, #tpu.memory_space<vmem>> -> memref<1x128xf32, #tpu.memory_space<vmem>>
      %dma_wait3A_1255 = tpu.memref_squeeze %dma_wait3A_1254 : memref<1x128xf32, #tpu.memory_space<vmem>> -> memref<128xf32, #tpu.memory_space<vmem>>
      tpu.wait_dma2 semaphore(%run_scoped3A_1239 : memref<!tpu.dma_semaphore, #tpu.memory_space<semaphore_mem>>) src(%dma_wait3A_1255 : memref<128xf32, #tpu.memory_space<vmem>>) dst(%dma_wait3A_1252 : memref<128xf32, #tpu.memory_space<hbm>>)
      tpu.yield
    }) : () -> ()
    %add3A_1236 = arith.constant 384 : i32
    %add3A_1237 = arith.addi %mul3A_2, %add3A_1236 : i32
    %run_scoped3A_1238 = arith.constant 3 : i32
    "tpu.region"() ({
      %run_scoped3A_1239 = tpu.sem_alloc : memref<!tpu.dma_semaphore, #tpu.memory_space<semaphore_mem>>
      %dma_start3A_1240 = arith.constant 0 : i32
      %dma_start3A_1241 = tpu.memref_slice %arg9[%run_scoped3A_1238, %dma_start3A_1240] : memref<4x128xf32, #tpu.memory_space<vmem>> -> memref<1x128xf32, #tpu.memory_space<vmem>>
      %dma_start3A_1242 = tpu.memref_squeeze %dma_start3A_1241 : memref<1x128xf32, #tpu.memory_space<vmem>> -> memref<128xf32, #tpu.memory_space<vmem>>
      %dma_start3A_1243 = tpu.memref_slice %arg5[%add3A_1237] : memref<16384xf32, #tpu.memory_space<hbm>> -> memref<128xf32, #tpu.memory_space<hbm>>
      %dma_start3A_1244 = tpu.memref_slice %arg5[%add3A_1237] : memref<16384xf32, #tpu.memory_space<hbm>> -> memref<128xf32, #tpu.memory_space<hbm>>
      %dma_start3A_1245 = arith.constant 0 : i32
      %dma_start3A_1246 = tpu.memref_slice %arg9[%run_scoped3A_1238, %dma_start3A_1245] : memref<4x128xf32, #tpu.memory_space<vmem>> -> memref<1x128xf32, #tpu.memory_space<vmem>>
      %dma_start3A_1247 = tpu.memref_squeeze %dma_start3A_1246 : memref<1x128xf32, #tpu.memory_space<vmem>> -> memref<128xf32, #tpu.memory_space<vmem>>
      tpu.enqueue_dma source(%dma_start3A_1247 : memref<128xf32, #tpu.memory_space<vmem>>) target(%dma_start3A_1244 : memref<128xf32, #tpu.memory_space<hbm>>) target_semaphore(%run_scoped3A_1239 : memref<!tpu.dma_semaphore, #tpu.memory_space<semaphore_mem>>)
      %dma_wait3A_1248 = arith.constant 0 : i32
      %dma_wait3A_1249 = tpu.memref_slice %arg9[%run_scoped3A_1238, %dma_wait3A_1248] : memref<4x128xf32, #tpu.memory_space<vmem>> -> memref<1x128xf32, #tpu.memory_space<vmem>>
      %dma_wait3A_1250 = tpu.memref_squeeze %dma_wait3A_1249 : memref<1x128xf32, #tpu.memory_space<vmem>> -> memref<128xf32, #tpu.memory_space<vmem>>
      %dma_wait3A_1251 = tpu.memref_slice %arg5[%add3A_1237] : memref<16384xf32, #tpu.memory_space<hbm>> -> memref<128xf32, #tpu.memory_space<hbm>>
      %dma_wait3A_1252 = tpu.memref_slice %arg5[%add3A_1237] : memref<16384xf32, #tpu.memory_space<hbm>> -> memref<128xf32, #tpu.memory_space<hbm>>
      %dma_wait3A_1253 = arith.constant 0 : i32
      %dma_wait3A_1254 = tpu.memref_slice %arg9[%run_scoped3A_1238, %dma_wait3A_1253] : memref<4x128xf32, #tpu.memory_space<vmem>> -> memref<1x128xf32, #tpu.memory_space<vmem>>
      %dma_wait3A_1255 = tpu.memref_squeeze %dma_wait3A_1254 : memref<1x128xf32, #tpu.memory_space<vmem>> -> memref<128xf32, #tpu.memory_space<vmem>>
      tpu.wait_dma2 semaphore(%run_scoped3A_1239 : memref<!tpu.dma_semaphore, #tpu.memory_space<semaphore_mem>>) src(%dma_wait3A_1255 : memref<128xf32, #tpu.memory_space<vmem>>) dst(%dma_wait3A_1252 : memref<128xf32, #tpu.memory_space<hbm>>)
      tpu.yield
    }) : () -> ()
    return
  }
}

</mosaic_0001>

<sc_bundles>
// kernel: kernel.3.cloned.1.call-start
scs
__scs_entry_jumppad:
0x0: {  	(pc) =	sbr.rel $0x88, $3  }
0x1: {  	(tag) =	ssettag $0x0;
	lr =	simm.s32 $0x1  }
0x2: {  	[smem:$0x3F9F] =	sst lr;
	_ =	strace $0xD0000000  }
0x3: {  	_ = 	snop  }
0x4: {  	_ = 	snop  }
0x5: {  	_ = 	snop  }
0x6: {  	_ = 	snop  }
0x7: {  	_ = 	snop  }
__scs_overlays_trampoline_lowered:
0x8: {  	[smem:$0x3FAE] =	sst s0  }
0x9: {  	[smem:$0x3FAF] =	sst s1  }
0xa: {  	[smem:$0x3FB0] =	sst s2  }
0xb: {  	[smem:$0x3FB1] =	sst s3  }
0xc: {  	[smem:$0x3FB2] =	sst s4  }
0xd: {  	[smem:$0x3FB3] =	sst s5  }
0xe: {  	[smem:$0x3FB4] =	sst s6  }
0xf: {  	[smem:$0x3FB5] =	sst s7  }
0x10: {  	[smem:$0x3FB6] =	sst s8  }
0x11: {  	[smem:$0x3FB7] =	sst s9;
	s0 =	simm.s32 @!p0 $0x0  }
0x12: {  	s1 =	sld [smem:$0x3F9D];
	s0 =	simm.s32 @p0 $0x1  }
0x13: {  	[smem:$0x3FB8] =	sst s0;
	s0 =	simm.s32 @!p1 $0x0  }
0x14: {  	s2 =	sld [smem:$0x3F9C];
	s0 =	simm.s32 @p1 $0x1  }
0x15: {  	[smem:$0x3FB9] =	sst s0;
	s0 =	simm.s32 @!p2 $0x0  }
0x16: {  	s3 =	sld [smem:$0x3FDB];
	s0 =	simm.s32 @p2 $0x1  }
0x17: {  	s4 =	simm.s32 $0x1BF5;
	[smem:$0x3FBB] =	sst s0  }
0x18: {  	s0 =	sld [smem:$0x3F9E];
	_ =	swait.ge [sflag:s4], $0x0  }
0x19: {  	s7 =	sld [smem:$0x3F9F]  }
0x1a: {  	s8 =	sadd.s32 $0xFFFFE003, lr  }
0x1b: {  	s9 =	sadd.s32 $0xFFFFFEF7, lr;
	s5 =	simm.s32 $0xFFFFFFFF;
	p2 =	slt.u32 s8, $0xFFFFF086  }
0x1c: {  	p1 =	slt.u32 s9, $0xF7A;
	s5 =	simm.s32 @!p2 $0x0  }
0x1d: {  	s5 =	simm.s32 @p1 $0x1;
	p0 =	seq.s32 s7, s2  }
0x1e: {  	s7 =	smul.u32 @!p0 $0xF7A, s2;
	p2 =	seq.s32 @!p0 s5, $0x0  }
0x1f: {  	s9 =	smul.u32 $0xF7A, s1;
	s8 =	simm.s32 @!p0 $0x1BF5;
	p2 =	por !p2, p0  }
0x20: {  	[sflag:s8] =	ssyncset.s32 @!p0 $0xFFFFF086;
	s6 =	sadd.s32 @!p0 s3, s7;
	s7 =	simm.s32 @!p0 $0x108  }
0x21: {  	s3 =	sadd.s32 s3, s9;
	s6 =	sadd.s32 @!p0 $0x88, s6;
	s7 =	simm.s32 @p2 $0x1082  }
0x22: {  	[simem:s7], [sflag:s8] =	dma.local @!p0 [hbm:s6], $0xF7A  }
0x23: {  	s9 =	sor.u32 $0xD0000000, s2;
	s6 =	simm.s32 $0x108;
	_ =	swait.ge @!p0 [sflag:s8], $0x0  }
0x24: {  	s3 =	sadd.s32 $0x88, s3;
	s6 =	simm.s32 @!p1 $0x1082;
	[sflag:s4] =	ssyncset.s32 $0xFFFFF086  }
0x25: {  	[simem:s6], [sflag:s4] =	dma.local [hbm:s3], $0xF7A  }
0x26: {  	[smem:$0x3F9F] =	sst s1;
	(tag) =	ssettag s2;
	_ =	strace s9  }
0x27: {  	s1 =	sld [smem:$0x3FAF]  }
0x28: {  	s2 =	sld [smem:$0x3FB0]  }
0x29: {  	s4 =	sld [smem:$0x3FB2]  }
0x2a: {  	p0 =	seq.s32 s5, $0x0;
	s5 =	sld [smem:$0x3FB3]  }
0x2b: {  	s6 =	sld [smem:$0x3FB4]  }
0x2c: {  	s7 =	sld [smem:$0x3FB5]  }
0x2d: {  	s3 =	simm.s32 $0x108;
	s8 =	sld [smem:$0x3FB6]  }
0x2e: {  	s3 =	simm.s32 @!p0 $0x1082;
	s9 =	sld [smem:$0x3FB7]  }
0x2f: {  	lr =	sadd.s32 s0, s3;
	s0 =	sld [smem:$0x3FAE]  }
0x30: {  	s3 =	sld [smem:$0x3FB1]  }
0x31: {  	[smem:$0x3FBA] =	sst s10  }
0x32: {  	s10 =	sld [smem:$0x3FB8];
	_ =	sdelay $0x3  }
0x33: {  	p0 =	seq.s32 s10, $0x1;
	s10 =	sld [smem:$0x3FBA];
	_ =	sdelay $0x3  }
0x34: {  	[smem:$0x3FBA] =	sst s10  }
0x35: {  	s10 =	sld [smem:$0x3FB9];
	_ =	sdelay $0x3  }
0x36: {  	p1 =	seq.s32 s10, $0x1;
	s10 =	sld [smem:$0x3FBA];
	_ =	sdelay $0x3  }
0x37: {  	[smem:$0x3FBA] =	sst s10  }
0x38: {  	s10 =	sld [smem:$0x3FBB]  }
0x39: {  	_ = 	snop;
	(pc) =	sbr.ind lr, $3  }
0x3a: {  	_ = 	snop  }
0x3b: {  	_ = 	snop  }
0x3c: {  	p2 =	seq.s32 s10, $0x1;
	s10 =	sld [smem:$0x3FBA]  }
0x3d: {  	_ =	shalt  }
0x3e: {  	_ =	shalt  }
0x3f: {  	_ =	shalt  }
0x40: {  	_ =	shalt  }
0x41: {  	_ =	shalt  }
0x42: {  	_ =	shalt  }
0x43: {  	_ =	shalt  }
0x44: {  	_ =	shalt  }
0x45: {  	_ =	shalt  }
0x46: {  	_ =	shalt  }
0x47: {  	_ =	shalt  }
0x48: {  	_ =	shalt  }
0x49: {  	_ =	shalt  }
0x4a: {  	_ =	shalt  }
0x4b: {  	_ =	shalt  }
0x4c: {  	_ =	shalt  }
0x4d: {  	_ =	shalt  }
0x4e: {  	_ =	shalt  }
0x4f: {  	_ =	shalt  }
0x50: {  	_ =	shalt  }
0x51: {  	_ =	shalt  }
0x52: {  	_ =	shalt  }
0x53: {  	_ =	shalt  }
0x54: {  	_ =	shalt  }
0x55: {  	_ =	shalt  }
0x56: {  	_ =	shalt  }
0x57: {  	_ =	shalt  }
0x58: {  	_ =	shalt  }
0x59: {  	_ =	shalt  }
0x5a: {  	_ =	shalt  }
0x5b: {  	_ =	shalt  }
0x5c: {  	_ =	shalt  }
0x5d: {  	_ =	shalt  }
0x5e: {  	_ =	shalt  }
0x5f: {  	_ =	shalt  }
0x60: {  	_ =	shalt  }
0x61: {  	_ =	shalt  }
0x62: {  	_ =	shalt  }
0x63: {  	_ =	shalt  }
0x64: {  	_ =	shalt  }
0x65: {  	_ =	shalt  }
0x66: {  	_ =	shalt  }
0x67: {  	_ =	shalt  }
0x68: {  	_ =	shalt  }
0x69: {  	_ =	shalt  }
0x6a: {  	_ =	shalt  }
0x6b: {  	_ =	shalt  }
0x6c: {  	_ =	shalt  }
0x6d: {  	_ =	shalt  }
0x6e: {  	_ =	shalt  }
0x6f: {  	_ =	shalt  }
0x70: {  	_ =	shalt  }
0x71: {  	_ =	shalt  }
0x72: {  	_ =	shalt  }
0x73: {  	_ =	shalt  }
0x74: {  	_ =	shalt  }
0x75: {  	_ =	shalt  }
0x76: {  	_ =	shalt  }
0x77: {  	_ =	shalt  }
0x78: {  	_ =	shalt  }
0x79: {  	_ =	shalt  }
0x7a: {  	_ =	shalt  }
0x7b: {  	_ =	shalt  }
0x7c: {  	_ =	shalt  }
0x7d: {  	_ =	shalt  }
0x7e: {  	_ =	shalt  }
0x7f: {  	_ =	shalt  }
0x80: {  	_ =	shalt  }
0x81: {  	_ =	shalt  }
0x82: {  	_ =	shalt  }
0x83: {  	_ =	shalt  }
0x84: {  	_ =	shalt  }
0x85: {  	_ =	shalt  }
0x86: {  	_ =	shalt  }
0x87: {  	_ =	shalt  }
.Lfunc_end0:
.L_simem_size_0:
called_computation.1_lowered:
.L_overlay_start_0:
0x88: {  	s2 =	sld [smem:$0x3FD9]  }
0x89: {  	s3 =	sld [smem:$0x3FFE];
	_ =	sdelay $0x1  }
0x8a: {  	s1 =	srdreg.scid  }
0x8b: {  	s0 =	sand.u32 $0x1, s1  }
0x8c: {  	s17 =	sshll.u32 s0, $0xA;
	s2 =	sadd.s32 s3, s2  }
0x8d: {  	s2 =	sadd.s32 s2, s17  }
0x8e: {  	[smem:$0x3FC6] =	sst s2  }
0x8f: {  	_ = 	snop  }
0x90: {  	s2 =	sld [smem:$0x3FD0];
	(tm) =	ssettm $0x1  }
0x91: {  	s18 =	sld [smem:$0x3FFB];
	_ =	sdelay $0x3  }
0x92: {  	_ =	strace s18  }
0x93: {  	s3 =	sld [smem:$0x3FFC];
	_ =	sdelay $0x3  }
0x94: {  	_ =	strace s3  }
0x95: {  	s3 =	sld [smem:$0x3FFD];
	_ =	sdelay $0x3  }
0x96: {  	_ =	strace s3  }
0x97: {  	_ =	strace $0x8FFFFFFF  }
0x98: {  	s19 =	sld [smem:$0x3FDB];
	_ =	sdelay $0x1  }
0x99: {  	s4 =	simm.s32 $_scs_section_size  }
0x9a: {  	s5 =	simm.s32 $_size__tile_overlayer_lowered;
	s6 =	simm.s32 $_tile_overlayer_lowered  }
0x9b: {  	s22 =	simm.s32 $0x1BFF;
	s21 =	sshll.u32 s6, $0x1;
	s3 =	sadd.s32 s4, s19  }
0x9c: {  	s7 =	simm.s32 $0x0;
	s20 =	sshll.u32 s5, $0x1;
	s5 =	sadd.s32 s21, s3  }
0x9d: {  	[timem:s7], [sflag:s22] =	dma.local [hbm:s5], s20  }
0x9e: {  	_ =	swait.ge [sflag:s22], s20  }
0x9f: {  	s4 =	ssub.s32 $0x0, s20;
	[sflag:s22] =	ssyncset.done $0x0  }
0xa0: {  	[sflag:s22] =	ssyncadd.s32 s4;
	_ =	sdelay $0x1  }
0xa1: {  	s23 =	simm.s32 $0x1B8B  }
0xa2: {  	_ =	swait.ge [sflag:s23], $0x1  }
0xa3: {  	[sflag:s23] =	ssyncset.done $0x0  }
0xa4: {  	s25 =	simm.s32 $0x1B8E;
	s24 =	sld [smem:$0x3FFE];
	[sflag:s23] =	ssyncadd.s32 $0xFFFFFFFF  }
0xa5: {  	s26 =	simm.s32 $execute0_lowered;
	[smem:$0x3FD2] =	sst s25  }
0xa6: {  	s5 =	sshll.u32 s26, $0x1;
	_ =	strace $0x80000049;
	[dreg:$0x1] =	wrdreg $0xFFFFFFFF  }
0xa7: {  	s28 =	simm.s32 $_size_execute0_lowered;
	s3 =	sadd.s32 s3, s5;
	[dreg:$0x0] =	wrdreg $0x0  }
0xa8: {  	s5 =	sshll.u32 s28, $0x1;
	[dreg:$0x2] =	wrdreg s3  }
0xa9: {  	[dreg:$0x3] =	wrdreg s5  }
0xaa: {  	[dreg:$0x4] =	wrdreg $0xC0  }
0xab: {  	_ =	task [dreg:s7], $0x5FFFF  }
0xac: {  	[dreg:$0x1] =	wrdreg $0xFFFFFFFF  }
0xad: {  	[dreg:$0x0] =	wrdreg $0x60  }
0xae: {  	[dreg:$0x2] =	wrdreg s24  }
0xaf: {  	[dreg:$0x3] =	wrdreg s2  }
0xb0: {  	[dreg:$0x4] =	wrdreg $0x9  }
0xb1: {  	_ =	task.clear_ibuf [dreg:s7], $0x5FFFF;
	_ =	strace $0x90000049  }
0xb2: {  	s29 =	simm.s32 $0x9;
	_ =	strace $0x8000004B  }
0xb3: {  	_ =	swait.ge [sflag:s29], $0x1  }
0xb4: {  	[sflag:s29] =	ssyncadd.s32 $0xFFFFFFFF  }
0xb5: {  	_ =	strace $0x9000004B  }
0xb6: {  	_ =	sfence  }
0xb7: {  	s30 =	sld [smem:$0x0];
	_ =	sdelay $0x2  }
0xb8: {  	s31 =	sshll.u32 s1, $0xD;
	s1 =	sshrl.u32 s1, $0x2  }
0xb9: {  	s3 =	sand.u32 $0x4000, s31;
	s1 =	sadd.s32 s1, s30  }
0xba: {  	s0 =	sor.u32 s3, s0;
	s1 =	sshll.u32 s1, $0x11  }
0xbb: {  	s0 =	sor.u32 s1, s0  }
0xbc: {  	s0 =	sadd.s32 $0x8F2B, s0  }
0xbd: {  	[sflag:s0] =	ssyncadd.remote.s32 $0x1  }
0xbe: {  	_ =	sfence.sel $0xFFFF  }
0xbf: {  	[dreg:$0x0] =	wrdreg $0xFFFFFFFF;
	(pc) =	sbr.abs _section_cstart, $3  }
0xc0: {  	[dreg:$0x1] =	wrdreg $0xFFFFFFFF  }
0xc1: {  	_ =	task.clear_ibuf [dreg:s7], $0x2FFFF;
	_ =	strace $0x9FFFFFFF  }
0xc2: {  	(tm) =	ssettm $0x7FFFFFFF  }
0xc3: {  	_ =	shalt  }
tec
execute0_lowered:
.L_overlay_start_1:
0x0: {  	(tag) =	ssettag $0x1  }
0x1: {  	s3 =	rddreg [dreg:$0x0]  }
0x2: {  	s4 =	rddreg [dreg:$0x1];
	s2 =	srdreg.scid  }
0x3: {  	s0 =	rddreg [dreg:$0x2];
	s1 =	stileid.u32;
	s11 =	simm.s32 $0x2  }
0x4: {  	s12 =	simm.s32 $0x200;
	s13 =	simm.s32 $0x80;
	s14 =	simm.s32 $0x400  }
0x5: {  	s15 =	simm.s32 $0x600;
	s16 =	simm.s32 $0x480;
	s17 =	simm.s32 $0x680  }
0x6: {  	s18 =	simm.s32 $0x500;
	s19 =	simm.s32 $0x700;
	s20 =	simm.s32 $0x580  }
0x7: {  	s21 =	simm.s32 $0x780;
	s22 =	simm.s32 $0x1;
	s5 =	sand.u32 $0x1, s2  }
0x8: {  	s2 =	simm.s32 $0x0;
	s6 =	sshll.u32 s1, $0x7;
	s7 =	sshll.u32 s5, $0x6  }
0x9: {  	[smem:$0x7FF] =	sst s2;
	s5 =	ssub.s32 $0x2, s5;
	s6 =	sor.u32 s7, s6  }
0xa: {  	_ =	strace $0x8000004A;
	s8 =	sshrl.u32 s5, $0x1;
	s7 =	sadd.s32 s6, s3  }
0xb: {  	s3 =	sadd.s32 $0xC00, s3;
	s10 =	ssub.s32 s5, s8;
	s4 =	sadd.s32 s4, s6  }
0xc: {  	s5 =	sadd.s32 $0x201400, s7;
	s6 =	sadd.s32 $0x200C00, s7;
	s7 =	sadd.s32 $0x10, s4  }
0xd: {  	s8 =	sadd.s32 $0x20, s4;
	s9 =	sadd.s32 $0x30, s4;
	s10 =	smax.u32 s10, $0x1  }
.LBB2_1:
0xe: {  	[tilespmem:s2], [sflag:$0x2] =	stream.linear.gather [hbm4b:s5+s2], $0x200, $0x38;
	[tilespmem:$0x800] =	vst v63  }
0xf: {  	_ =	swait.ge [sflag:s11], $0x200  }
0x10: {  	[sflag:s11] =	ssyncset.done $0x0  }
0x11: {  	[sflag:s11] =	ssyncadd.s32 $0xFFFFFE00  }
0x12: {  	[tilespmem:s12], [sflag:$0x2] =	stream.linear.gather [hbm4b:s6+s2], $0x200, $0x38;
	[tilespmem:$0x800] =	vst v63  }
0x13: {  	_ =	swait.ge [sflag:s11], $0x200  }
0x14: {  	[sflag:s11] =	ssyncset.done $0x0  }
0x15: {  	[sflag:s11] =	ssyncadd.s32 $0xFFFFFE00  }
0x16: {  	v0 =	vld [tilespmem:$0x0]  }
0x17: {  	v1 =	vld [tilespmem:$0x200]  }
0x18: {  	v2 =	vld [tilespmem:$0x10]  }
0x19: {  	v3 =	vld [tilespmem:$0x210]  }
0x1a: {  	v4 =	vld [tilespmem:$0x20]  }
0x1b: {  	v5 =	vld [tilespmem:$0x220]  }
0x1c: {  	v6 =	vld [tilespmem:$0x30]  }
0x1d: {  	v51 =	vld [tilespmem:$0x230]  }
0x1e: {  	v7 =	vld [tilespmem:$0x40]  }
0x1f: {  	v8 =	vld [tilespmem:$0x240]  }
0x20: {  	v9 =	vld [tilespmem:$0x50]  }
0x21: {  	v57 =	vld [tilespmem:$0x60]  }
0x22: {  	v11 =	vld [tilespmem:$0x70]  }
0x23: {  	v61 =	vld [tilespmem:$0x270]  }
0x24: {  	v12 =	vld [tilespmem:$0x80];
	v0 =	vmul.f32 $4.096000000e+03, v0  }
0x25: {  	v13 =	vld [tilespmem:$0x90];
	v1 =	vmul.f32 $4.096000000e+03, v1;
	v2 =	vmul.f32 $4.096000000e+03, v2  }
0x26: {  	v26 =	vld [tilespmem:$0x290];
	v3 =	vmul.f32 $4.096000000e+03, v3;
	v4 =	vmul.f32 $4.096000000e+03, v4  }
0x27: {  	v33 =	vld [tilespmem:$0xA0];
	v50 =	vmul.f32 $4.096000000e+03, v5;
	v6 =	vmul.f32 $4.096000000e+03, v6  }
0x28: {  	v14 =	vld [tilespmem:$0xB0];
	v5 =	vmul.f32 $4.096000000e+03, v51;
	v7 =	vmul.f32 $4.096000000e+03, v7  }
0x29: {  	v15 =	vld [tilespmem:$0x2B0];
	v55 =	vmul.f32 $4.096000000e+03, v8;
	v56 =	vmul.f32 $4.096000000e+03, v9  }
0x2a: {  	v60 =	vmul.f32 $4.096000000e+03, v57;
	v11 =	vmul.f32 $4.096000000e+03, v11  }
0x2b: {  	v19 =	vmul.f32 $4.096000000e+03, v61;
	v25 =	vmul.f32 $4.096000000e+03, v12  }
0x2c: {  	v32 =	vmul.f32 $4.096000000e+03, v13;
	v12 =	vmul.f32 $4.096000000e+03, v26  }
0x2d: {  	v13 =	vmul.f32 $4.096000000e+03, v33;
	v14 =	vmul.f32 $4.096000000e+03, v14  }
0x2e: {  	v38 =	vmul.f32 $4.096000000e+03, v15;
	v0 =	vtrunc.f32 v0  }
0x2f: {  	v1 =	vtrunc.f32 v1;
	v2 =	vtrunc.f32 v2  }
0x30: {  	v35 =	vld [tilespmem:$0x2A0];
	v3 =	vtrunc.f32 v3;
	v49 =	vtrunc.f32 v4  }
0x31: {  	v39 =	vld [tilespmem:$0x2C0];
	v4 =	vtrunc.f32 v50;
	v6 =	vtrunc.f32 v6  }
0x32: {  	v5 =	vtrunc.f32 v5;
	v54 =	vtrunc.f32 v7  }
0x33: {  	v7 =	vtrunc.f32 v55;
	v8 =	vtrunc.f32 v56  }
0x34: {  	v21 =	vtrunc.f32 v11;
	v12 =	vtrunc.f32 v12  }
0x35: {  	v13 =	vtrunc.f32 v13;
	v11 =	vmul.f32 $4.096000000e+03, v35  }
0x36: {  	v37 =	vtrunc.f32 v14;
	v14 =	vmul.f32 $4.096000000e+03, v39  }
0x37: {  	v0 =	vcvt.f32.s32 v0;
	v1 =	vcvt.f32.s32 v1  }
0x38: {  	v2 =	vcvt.f32.s32 v2;
	v48 =	vcvt.f32.s32 v3  }
0x39: {  	v3 =	vcvt.f32.s32 v49;
	v4 =	vcvt.f32.s32 v4  }
0x3a: {  	v6 =	vcvt.f32.s32 v6;
	v5 =	vcvt.f32.s32 v5  }
0x3b: {  	v7 =	vcvt.f32.s32 v7;
	v8 =	vcvt.f32.s32 v8  }
0x3c: {  	v12 =	vcvt.f32.s32 v12;
	v13 =	vcvt.f32.s32 v13  }
0x3d: {  	v11 =	vtrunc.f32 v11;
	v42 =	vtrunc.f32 v14  }
0x3e: {  	vm0 =	vgt.s32 v0, $0x0;
	vm13 =	vgt.s32 v1, $0x0;
	vm14 =	vgt.s32 v2, $0x0  }
0x3f: {  	vm15 =	vgt.s32 v48, $0x0;
	vm4 =	vgt.s32 v3, $0x0;
	vm5 =	vgt.s32 v4, $0x0  }
0x40: {  	vm6 =	vgt.s32 v6, $0x0;
	vm7 =	vgt.s32 v5, $0x0;
	vm9 =	vgt.s32 v7, $0x0  }
0x41: {  	vm10 =	vgt.s32 v8, $0x0;
	v36 =	vcvt.f32.s32 v11;
	v11 =	vcvt.f32.s32 v37  }
0x42: {  	v14 =	vcvt.f32.s32 v42;
	v0 =	vnsel vm0, $0x0, v0;
	v1 =	vnsel vm13, $0x0, v1  }
0x43: {  	v2 =	vnsel vm14, $0x0, v2;
	v3 =	vnsel vm4, $0x0, v3;
	v4 =	vnsel vm5, $0x0, v4  }
0x44: {  	v52 =	vnsel vm6, $0x0, v6;
	v5 =	vnsel vm7, $0x0, v5;
	v6 =	vcvt.f32.s32 v54  }
0x45: {  	v7 =	vnsel vm9, $0x0, v7;
	v8 =	vnsel vm10, $0x0, v8;
	vm7 =	vgt.s32 v12, $0x0  }
0x46: {  	v0 =	vmin.u32 v0, $0xFFF;
	v1 =	vmin.u32 v1, $0xFFF;
	v2 =	vmin.u32 v2, $0xFFF  }
0x47: {  	v3 =	vmin.u32 v3, $0xFFF;
	v4 =	vmin.u32 v4, $0xFFF;
	v5 =	vmin.u32 v5, $0xFFF  }
0x48: {  	v59 =	vld [tilespmem:$0x260];
	v7 =	vmin.u32 v7, $0xFFF;
	v8 =	vmin.u32 v8, $0xFFF;
	v12 =	vnsel vm7, $0x0, v12  }
0x49: {  	vm9 =	vgt.s32 v36, $0x0;
	vm10 =	vgt.s32 v11, $0x0;
	v0 =	vshll.u32 v0, $0xC  }
0x4a: {  	v53 =	vld [tilespmem:$0x250];
	v2 =	vshll.u32 v2, $0xC;
	v3 =	vshll.u32 v3, $0xC;
	vm8 =	vgt.s32 v6, $0x0  }
0x4b: {  	v17 =	vshll.u32 v8, $0xC;
	v12 =	vmin.u32 v12, $0xFFF;
	v11 =	vnsel vm10, $0x0, v11  }
0x4c: {  	v0 =	vor.u32 v1, v0;
	v1 =	vnsel vm15, $0x0, v48;
	v58 =	vnsel vm8, $0x0, v6  }
0x4d: {  	v6 =	vmul.f32 $4.096000000e+03, v59;
	vm8 =	vgt.s32 v13, $0x0;
	v1 =	vmin.u32 v1, $0xFFF  }
0x4e: {  	v11 =	vmin.u32 v11, $0xFFF;
	v13 =	vnsel vm8, $0x0, v13;
	v2 =	vor.u32 v1, v2  }
0x4f: {  	v48 =	vld [tilespmem:$0xF0];
	v1 =	vor.u32 v4, v3;
	v3 =	vmin.u32 v52, $0xFFF;
	v4 =	vmul.f32 $4.096000000e+03, v53  }
0x50: {  	v16 =	vtrunc.f32 v6;
	v6 =	vtrunc.f32 v19;
	v13 =	vmin.u32 v13, $0xFFF  }
0x51: {  	v22 =	vld [tilespmem:$0x280];
	v3 =	vshll.u32 v3, $0xC;
	v18 =	vcvt.f32.s32 v16;
	v23 =	vcvt.f32.s32 v6  }
0x52: {  	v19 =	vld [tilespmem:$0xE0];
	v3 =	vor.u32 v5, v3;
	v5 =	vmin.u32 v58, $0xFFF;
	v4 =	vtrunc.f32 v4  }
0x53: {  	v53 =	vld [tilespmem:$0x300];
	v13 =	vshll.u32 v13, $0xC;
	v5 =	vshll.u32 v5, $0xC;
	v10 =	vcvt.f32.s32 v4  }
0x54: {  	v16 =	vld [tilespmem:$0xC0];
	vm13 =	vgt.s32 v18, $0x0;
	vm15 =	vgt.s32 v23, $0x0;
	v52 =	vmul.f32 $4.096000000e+03, v48  }
0x55: {  	v41 =	vld [tilespmem:$0xD0];
	v4 =	vor.u32 v7, v5;
	v5 =	vtrunc.f32 v60;
	v8 =	vnsel vm13, $0x0, v18  }
0x56: {  	v28 =	vnsel vm15, $0x0, v23;
	v18 =	vshll.u32 v11, $0xC;
	vm13 =	vgt.s32 v14, $0x0  }
0x57: {  	vm11 =	vgt.s32 v10, $0x0;
	v63 =	vcvt.f32.s32 v5;
	v8 =	vmin.u32 v8, $0xFFF  }
0x58: {  	v48 =	vld [tilespmem:$0x180];
	v14 =	vnsel vm13, $0x0, v14;
	v47 =	vmul.f32 $4.096000000e+03, v19;
	v59 =	vmul.f32 $4.096000000e+03, v53  }
0x59: {  	v62 =	vnsel vm11, $0x0, v10;
	v10 =	vmul.f32 $4.096000000e+03, v22;
	v40 =	vmul.f32 $4.096000000e+03, v16  }
0x5a: {  	v23 =	vld [tilespmem:$0x140];
	v16 =	vmul.f32 $4.096000000e+03, v41;
	v14 =	vmin.u32 v14, $0xFFF;
	v9 =	vmin.u32 v62, $0xFFF  }
0x5b: {  	v5 =	vor.u32 v9, v17;
	v9 =	vcvt.f32.s32 v21;
	v31 =	vtrunc.f32 v10  }
0x5c: {  	v33 =	vld [tilespmem:$0x130];
	vm12 =	vgt.s32 v63, $0x0;
	v10 =	vtrunc.f32 v32;
	v15 =	vtrunc.f32 v40  }
0x5d: {  	v22 =	vld [tilespmem:$0x120];
	v20 =	vnsel vm12, $0x0, v63;
	v45 =	vtrunc.f32 v16;
	v53 =	vmul.f32 $4.096000000e+03, v48  }
0x5e: {  	v39 =	vld [tilespmem:$0x350];
	v7 =	vmin.u32 v20, $0xFFF;
	v10 =	vcvt.f32.s32 v10;
	v15 =	vcvt.f32.s32 v15  }
0x5f: {  	v26 =	vld [tilespmem:$0x320];
	v23 =	vmul.f32 $4.096000000e+03, v23;
	v24 =	vshll.u32 v7, $0xC;
	vm14 =	vgt.s32 v9, $0x0  }
0x60: {  	v62 =	vld [tilespmem:$0x310];
	v7 =	vtrunc.f32 v25;
	v6 =	vor.u32 v8, v24;
	v27 =	vnsel vm14, $0x0, v9  }
0x61: {  	v17 =	vld [tilespmem:$0x2D0];
	v9 =	vmin.u32 v28, $0xFFF;
	v29 =	vcvt.f32.s32 v7;
	vm6 =	vgt.s32 v10, $0x0  }
0x62: {  	v21 =	vld [tilespmem:$0x110];
	vm12 =	vgt.s32 v15, $0x0;
	v32 =	vmul.f32 $4.096000000e+03, v22;
	v22 =	vmul.f32 $4.096000000e+03, v33  }
0x63: {  	v37 =	vtrunc.f32 v23;
	v23 =	vmul.f32 $4.096000000e+03, v39;
	v8 =	vmin.u32 v27, $0xFFF  }
0x64: {  	v20 =	vld [tilespmem:$0x100];
	v10 =	vnsel vm6, $0x0, v10;
	v43 =	vnsel vm12, $0x0, v15;
	v15 =	vcvt.f32.s32 v45  }
0x65: {  	v19 =	vmul.f32 $4.096000000e+03, v62;
	v30 =	vshll.u32 v8, $0xC;
	v8 =	vcvt.f32.s32 v31  }
0x66: {  	vm4 =	vgt.s32 v29, $0x0;
	v46 =	vmul.f32 $4.096000000e+03, v17;
	v17 =	vtrunc.f32 v47  }
0x67: {  	v10 =	vmin.u32 v10, $0xFFF;
	v25 =	vmul.f32 $4.096000000e+03, v21;
	v21 =	vmul.f32 $4.096000000e+03, v26  }
0x68: {  	v50 =	vld [tilespmem:$0x2F0];
	v22 =	vtrunc.f32 v22;
	v42 =	vtrunc.f32 v23;
	v7 =	vor.u32 v9, v30  }
0x69: {  	v34 =	vnsel vm4, $0x0, v29;
	v17 =	vcvt.f32.s32 v17;
	v20 =	vmul.f32 $4.096000000e+03, v20  }
0x6a: {  	v10 =	vshll.u32 v10, $0xC;
	v31 =	vtrunc.f32 v19;
	v19 =	vtrunc.f32 v32  }
0x6b: {  	v35 =	vld [tilespmem:$0x330];
	vm14 =	vgt.s32 v15, $0x0;
	v22 =	vcvt.f32.s32 v22;
	v23 =	vcvt.f32.s32 v42  }
0x6c: {  	vm5 =	vgt.s32 v8, $0x0;
	v9 =	vmin.u32 v34, $0xFFF;
	v16 =	vtrunc.f32 v46  }
0x6d: {  	v49 =	vnsel vm14, $0x0, v15;
	v15 =	vmul.f32 $4.096000000e+03, v50;
	v19 =	vcvt.f32.s32 v19  }
0x6e: {  	v21 =	vtrunc.f32 v21;
	v8 =	vnsel vm5, $0x0, v8;
	v9 =	vshll.u32 v9, $0xC  }
0x6f: {  	v16 =	vcvt.f32.s32 v16;
	vm4 =	vgt.s32 v17, $0x0;
	v61 =	vtrunc.f32 v20  }
0x70: {  	v21 =	vcvt.f32.s32 v21;
	v20 =	vmul.f32 $4.096000000e+03, v35;
	vm14 =	vgt.s32 v22, $0x0  }
0x71: {  	v8 =	vmin.u32 v8, $0xFFF;
	v17 =	vnsel vm4, $0x0, v17;
	v56 =	vtrunc.f32 v15  }
0x72: {  	v26 =	vld [tilespmem:$0x360];
	v15 =	vtrunc.f32 v59;
	vm12 =	vgt.s32 v19, $0x0;
	v22 =	vnsel vm14, $0x0, v22  }
0x73: {  	v9 =	vor.u32 v8, v9;
	v8 =	vor.u32 v12, v10;
	v10 =	vnsel vm9, $0x0, v36  }
0x74: {  	v12 =	vtrunc.f32 v38;
	vm15 =	vgt.s32 v16, $0x0;
	v17 =	vmin.u32 v17, $0xFFF  }
0x75: {  	v42 =	vld [tilespmem:$0x3D0];
	v58 =	vcvt.f32.s32 v56;
	v63 =	vcvt.f32.s32 v15;
	v19 =	vnsel vm12, $0x0, v19  }
0x76: {  	v44 =	vld [tilespmem:$0x2E0];
	vm13 =	vgt.s32 v21, $0x0;
	v20 =	vtrunc.f32 v20;
	v22 =	vmin.u32 v22, $0xFFF  }
0x77: {  	v46 =	vmul.f32 $4.096000000e+03, v26;
	v12 =	vcvt.f32.s32 v12;
	v10 =	vmin.u32 v10, $0xFFF  }
0x78: {  	v16 =	vnsel vm15, $0x0, v16;
	v57 =	vshll.u32 v17, $0xC;
	v21 =	vnsel vm13, $0x0, v21  }
0x79: {  	v19 =	vmin.u32 v19, $0xFFF;
	v36 =	vcvt.f32.s32 v20;
	v20 =	vcvt.f32.s32 v37  }
0x7a: {  	[tilespmem:$0x470] =	vst v7;
	v22 =	vshll.u32 v22, $0xC;
	v7 =	vmul.f32 $4.096000000e+03, v42;
	v11 =	vor.u32 v10, v13  }
0x7b: {  	v13 =	vmul.f32 $4.096000000e+03, v44;
	v16 =	vmin.u32 v16, $0xFFF;
	vm7 =	vgt.s32 v58, $0x0  }
0x7c: {  	vm9 =	vgt.s32 v63, $0x0;
	v21 =	vmin.u32 v21, $0xFFF;
	vm11 =	vgt.s32 v12, $0x0  }
0x7d: {  	v19 =	vshll.u32 v19, $0xC;
	v17 =	vnsel vm7, $0x0, v58;
	v12 =	vnsel vm11, $0x0, v12  }
0x7e: {  	v28 =	vnsel vm9, $0x0, v63;
	v13 =	vtrunc.f32 v13;
	v12 =	vmin.u32 v12, $0xFFF  }
0x7f: {  	v51 =	vcvt.f32.s32 v13;
	v10 =	vor.u32 v12, v18;
	v12 =	vmin.u32 v43, $0xFFF  }
0x80: {  	vm15 =	vgt.s32 v36, $0x0;
	vm4 =	vgt.s32 v20, $0x0;
	v12 =	vshll.u32 v12, $0xC  }
0x81: {  	vm5 =	vgt.s32 v51, $0x0;
	v12 =	vor.u32 v14, v12;
	v14 =	vmin.u32 v49, $0xFFF  }
0x82: {  	vm7 =	vgt.s32 v23, $0x0;
	v54 =	vnsel vm5, $0x0, v51;
	v14 =	vshll.u32 v14, $0xC  }
0x83: {  	v18 =	vmin.u32 v54, $0xFFF;
	v13 =	vor.u32 v16, v14;
	v14 =	vtrunc.f32 v52  }
0x84: {  	v55 =	vcvt.f32.s32 v14;
	v14 =	vor.u32 v18, v57;
	v18 =	vcvt.f32.s32 v61  }
0x85: {  	v7 =	vtrunc.f32 v7;
	v17 =	vmin.u32 v17, $0xFFF;
	v20 =	vnsel vm4, $0x0, v20  }
0x86: {  	v23 =	vnsel vm7, $0x0, v23;
	vm6 =	vgt.s32 v55, $0x0;
	vm8 =	vgt.s32 v18, $0x0  }
0x87: {  	v60 =	vnsel vm6, $0x0, v55;
	v27 =	vnsel vm8, $0x0, v18;
	v18 =	vmin.u32 v28, $0xFFF;
	v28 =	vld [tilespmem:$0x170]  }
0x88: {  	v48 =	vcvt.f32.s32 v7;
	v20 =	vmin.u32 v20, $0xFFF;
	v16 =	vmin.u32 v60, $0xFFF;
	v60 =	vld [tilespmem:$0x3B0]  }
0x89: {  	v23 =	vmin.u32 v23, $0xFFF;
	v24 =	vshll.u32 v16, $0xC;
	v16 =	vtrunc.f32 v25;
	v25 =	vld [tilespmem:$0x150]  }
0x8a: {  	v41 =	vld [tilespmem:$0x160];
	v15 =	vor.u32 v17, v24;
	v17 =	vmin.u32 v27, $0xFFF;
	v29 =	vcvt.f32.s32 v16  }
0x8b: {  	v24 =	vld [tilespmem:$0x340];
	v27 =	vshll.u32 v20, $0xC;
	v30 =	vshll.u32 v17, $0xC;
	v17 =	vcvt.f32.s32 v31  }
0x8c: {  	vm10 =	vgt.s32 v29, $0x0;
	v16 =	vor.u32 v18, v30;
	v47 =	vmul.f32 $4.096000000e+03, v28  }
0x8d: {  	v34 =	vnsel vm10, $0x0, v29;
	vm11 =	vgt.s32 v17, $0x0;
	v37 =	vmul.f32 $4.096000000e+03, v60  }
0x8e: {  	v18 =	vmin.u32 v34, $0xFFF;
	v17 =	vnsel vm11, $0x0, v17;
	v40 =	vmul.f32 $4.096000000e+03, v25  }
0x8f: {  	v44 =	vld [tilespmem:$0x370];
	v25 =	vmul.f32 $4.096000000e+03, v41;
	v26 =	vtrunc.f32 v47;
	v17 =	vmin.u32 v17, $0xFFF  }
0x90: {  	v30 =	vld [tilespmem:$0x1B0];
	v18 =	vshll.u32 v18, $0xC;
	v38 =	vmul.f32 $4.096000000e+03, v24;
	v26 =	vcvt.f32.s32 v26  }
0x91: {  	[tilespmem:$0x450] =	vst v5;
	v57 =	vld [tilespmem:$0x1A0];
	v5 =	vtrunc.f32 v37;
	v18 =	vor.u32 v17, v18;
	v24 =	vtrunc.f32 v40  }
0x92: {  	v29 =	vld [tilespmem:$0x190];
	v17 =	vor.u32 v21, v19;
	v45 =	vtrunc.f32 v25;
	v25 =	vtrunc.f32 v46  }
0x93: {  	v19 =	vnsel vm15, $0x0, v36;
	v5 =	vcvt.f32.s32 v5;
	v21 =	vtrunc.f32 v38  }
0x94: {  	v34 =	vld [tilespmem:$0x1C0];
	v19 =	vmin.u32 v19, $0xFFF;
	v24 =	vcvt.f32.s32 v24;
	v25 =	vcvt.f32.s32 v25  }
0x95: {  	vm10 =	vgt.s32 v26, $0x0;
	v35 =	vmul.f32 $4.096000000e+03, v30;
	v21 =	vcvt.f32.s32 v21  }
0x96: {  	v20 =	vor.u32 v19, v22;
	v22 =	vmul.f32 $4.096000000e+03, v44;
	v26 =	vnsel vm10, $0x0, v26  }
0x97: {  	v56 =	vmul.f32 $4.096000000e+03, v29;
	v29 =	vmul.f32 $4.096000000e+03, v57;
	vm7 =	vgt.s32 v5, $0x0  }
0x98: {  	vm6 =	vgt.s32 v24, $0x0;
	vm9 =	vgt.s32 v25, $0x0;
	v26 =	vmin.u32 v26, $0xFFF  }
0x99: {  	[tilespmem:$0x430] =	vst v3;
	v36 =	vld [tilespmem:$0x3C0];
	v3 =	vtrunc.f32 v35;
	v39 =	vmul.f32 $4.096000000e+03, v34;
	v5 =	vnsel vm7, $0x0, v5  }
0x9a: {  	v40 =	vld [tilespmem:$0x1D0];
	vm5 =	vgt.s32 v21, $0x0;
	v43 =	vnsel vm6, $0x0, v24;
	v24 =	vcvt.f32.s32 v45  }
0x9b: {  	v25 =	vnsel vm9, $0x0, v25;
	v22 =	vtrunc.f32 v22;
	v28 =	vtrunc.f32 v56  }
0x9c: {  	v26 =	vshll.u32 v26, $0xC;
	v63 =	vtrunc.f32 v29;
	v3 =	vcvt.f32.s32 v3  }
0x9d: {  	v50 =	vld [tilespmem:$0x380];
	v5 =	vmin.u32 v5, $0xFFF;
	v51 =	vcvt.f32.s32 v22;
	v28 =	vcvt.f32.s32 v28  }
0x9e: {  	[tilespmem:$0x440] =	vst v4;
	v21 =	vnsel vm5, $0x0, v21;
	v29 =	vcvt.f32.s32 v63;
	v4 =	vmul.f32 $4.096000000e+03, v36  }
0x9f: {  	[tilespmem:$0x480] =	vst v9;
	v46 =	vld [tilespmem:$0x1F0];
	v25 =	vmin.u32 v25, $0xFFF;
	v41 =	vtrunc.f32 v39;
	v9 =	vmul.f32 $4.096000000e+03, v40  }
0xa0: {  	v21 =	vmin.u32 v21, $0xFFF;
	vm8 =	vgt.s32 v24, $0x0;
	vm6 =	vgt.s32 v3, $0x0  }
0xa1: {  	v19 =	vor.u32 v21, v27;
	v21 =	vmin.u32 v43, $0xFFF;
	v49 =	vnsel vm8, $0x0, v24  }
0xa2: {  	v47 =	vld [tilespmem:$0x3F0];
	vm11 =	vgt.s32 v51, $0x0;
	v24 =	vmul.f32 $4.096000000e+03, v50;
	vm14 =	vgt.s32 v28, $0x0  }
0xa3: {  	vm4 =	vgt.s32 v29, $0x0;
	v3 =	vnsel vm6, $0x0, v3;
	v4 =	vtrunc.f32 v4  }
0xa4: {  	v9 =	vtrunc.f32 v9;
	v50 =	vmul.f32 $4.096000000e+03, v46;
	v21 =	vshll.u32 v21, $0xC  }
0xa5: {  	[tilespmem:$0x420] =	vst v1;
	v55 =	vnsel vm11, $0x0, v51;
	v59 =	vnsel vm14, $0x0, v28;
	v1 =	vnsel vm4, $0x0, v29  }
0xa6: {  	v58 =	vld [tilespmem:$0x3A0];
	v3 =	vmin.u32 v3, $0xFFF;
	v4 =	vcvt.f32.s32 v4;
	v9 =	vcvt.f32.s32 v9  }
0xa7: {  	vm11 =	vgt.s32 v48, $0x0;
	v51 =	vmul.f32 $4.096000000e+03, v47;
	v21 =	vor.u32 v23, v21  }
0xa8: {  	v23 =	vmin.u32 v49, $0xFFF;
	v27 =	vmin.u32 v55, $0xFFF;
	v24 =	vtrunc.f32 v24  }
0xa9: {  	[tilespmem:$0x400] =	vst v0;
	v54 =	vld [tilespmem:$0x390];
	v0 =	vmin.u32 v59, $0xFFF;
	v1 =	vmin.u32 v1, $0xFFF;
	v3 =	vshll.u32 v3, $0xC  }
0xaa: {  	v23 =	vshll.u32 v23, $0xC;
	v24 =	vcvt.f32.s32 v24;
	v26 =	vor.u32 v27, v26  }
0xab: {  	[tilespmem:$0x410] =	vst v2;
	v27 =	vmul.f32 $4.096000000e+03, v58;
	v0 =	vshll.u32 v0, $0xC;
	v1 =	vshll.u32 v1, $0xC  }
0xac: {  	[tilespmem:$0x460] =	vst v6;
	v43 =	vld [tilespmem:$0x1E0];
	v3 =	vor.u32 v5, v3;
	vm9 =	vgt.s32 v4, $0x0;
	vm10 =	vgt.s32 v9, $0x0  }
0xad: {  	[tilespmem:$0x4B0] =	vst v10;
	v10 =	vtrunc.f32 v51;
	v52 =	vor.u32 v25, v23;
	v23 =	vtrunc.f32 v53  }
0xae: {  	[tilespmem:$0x490] =	vst v8;
	v25 =	vmul.f32 $4.096000000e+03, v54;
	v49 =	vnsel vm10, $0x0, v9;
	v9 =	vtrunc.f32 v50  }
0xaf: {  	[tilespmem:$0x4A0] =	vst v11;
	v4 =	vnsel vm9, $0x0, v4;
	v53 =	vcvt.f32.s32 v10;
	v23 =	vcvt.f32.s32 v23  }
0xb0: {  	[tilespmem:$0x4C0] =	vst v12;
	vm13 =	vgt.s32 v24, $0x0;
	v31 =	vtrunc.f32 v27;
	v4 =	vmin.u32 v4, $0xFFF  }
0xb1: {  	[tilespmem:$0x4D0] =	vst v13;
	v8 =	vmul.f32 $4.096000000e+03, v43;
	v7 =	vmin.u32 v49, $0xFFF;
	v9 =	vcvt.f32.s32 v9  }
0xb2: {  	[tilespmem:$0x4E0] =	vst v14;
	v24 =	vnsel vm13, $0x0, v24;
	v25 =	vtrunc.f32 v25;
	v33 =	vcvt.f32.s32 v31  }
0xb3: {  	[tilespmem:$0x4F0] =	vst v15;
	v56 =	vshll.u32 v7, $0xC;
	vm12 =	vgt.s32 v23, $0x0;
	v24 =	vmin.u32 v24, $0xFFF  }
0xb4: {  	[tilespmem:$0x500] =	vst v16;
	v25 =	vcvt.f32.s32 v25;
	v8 =	vtrunc.f32 v8;
	vm5 =	vgt.s32 v33, $0x0  }
0xb5: {  	[tilespmem:$0x510] =	vst v18;
	v45 =	vld [tilespmem:$0x3E0];
	vm14 =	vgt.s32 v9, $0x0;
	v23 =	vnsel vm12, $0x0, v23;
	v38 =	vnsel vm5, $0x0, v33  }
0xb6: {  	[tilespmem:$0x520] =	vst v17;
	v8 =	vcvt.f32.s32 v8;
	v57 =	vnsel vm14, $0x0, v9;
	v6 =	vmin.u32 v38, $0xFFF  }
0xb7: {  	[tilespmem:$0x530] =	vst v20;
	v23 =	vmin.u32 v23, $0xFFF;
	v1 =	vor.u32 v6, v1;
	v6 =	vcvt.f32.s32 v41  }
0xb8: {  	[tilespmem:$0x540] =	vst v19;
	vm15 =	vgt.s32 v25, $0x0;
	v60 =	vmin.u32 v57, $0xFFF;
	v23 =	vshll.u32 v23, $0xC  }
0xb9: {  	[tilespmem:$0x550] =	vst v21;
	v62 =	vnsel vm15, $0x0, v25;
	vm12 =	vgt.s32 v8, $0x0;
	vm8 =	vgt.s32 v6, $0x0  }
0xba: {  	[tilespmem:$0x570] =	vst v26;
	vm15 =	vgt.s32 v53, $0x0;
	v44 =	vnsel vm8, $0x0, v6;
	v6 =	vmul.f32 $4.096000000e+03, v45  }
0xbb: {  	[tilespmem:$0x560] =	vst v52;
	v61 =	vor.u32 v24, v23;
	v32 =	vmin.u32 v62, $0xFFF;
	v52 =	vnsel vm12, $0x0, v8  }
0xbc: {  	[tilespmem:$0x5B0] =	vst v3;
	v58 =	vnsel vm15, $0x0, v53;
	v62 =	vshll.u32 v60, $0xC;
	v6 =	vtrunc.f32 v6  }
0xbd: {  	[tilespmem:$0x5A0] =	vst v1;
	v1 =	vmin.u32 v58, $0xFFF;
	v5 =	vmin.u32 v44, $0xFFF;
	v6 =	vcvt.f32.s32 v6  }
0xbe: {  	v0 =	vor.u32 v32, v0;
	[tilespmem:$0x580] =	vst v61;
	v63 =	vor.u32 v1, v62;
	v5 =	vshll.u32 v5, $0xC  }
0xbf: {  	[tilespmem:$0x590] =	vst v0;
	v4 =	vor.u32 v4, v5;
	v5 =	vnsel vm11, $0x0, v48;
	vm13 =	vgt.s32 v6, $0x0  }
0xc0: {  	v2 =	vmin.u32 v52, $0xFFF;
	[tilespmem:$0x5F0] =	vst v63;
	v54 =	vmin.u32 v5, $0xFFF;
	v55 =	vnsel vm13, $0x0, v6  }
0xc1: {  	v2 =	vshll.u32 v2, $0xC;
	[tilespmem:$0x5C0] =	vst v4;
	v0 =	vor.u32 v54, v56;
	v59 =	vmin.u32 v55, $0xFFF  }
0xc2: {  	[tilespmem:$0x5D0] =	vst v0;
	v61 =	vor.u32 v59, v2  }
0xc3: {  	[tilespmem:$0x5E0] =	vst v61  }
0xc4: {  	[tilespmem:s15], [sflag:$0x1] =	stream.indirect.gather [hbm4b:s3+s13], $0x1, s14, s13, $0xb8;
	[tilespmem:$0x800] =	vst v63  }
0xc5: {  	_ = 	snop  }
0xc6: {  	[tilespmem:s17], [sflag:$0x1] =	stream.indirect.gather [hbm4b:s3+s13], $0x1, s16, s13, $0xb8;
	[tilespmem:$0x800] =	vst v63  }
0xc7: {  	_ = 	snop  }
0xc8: {  	[tilespmem:s19], [sflag:$0x1] =	stream.indirect.gather [hbm4b:s3+s13], $0x1, s18, s13, $0xb8;
	[tilespmem:$0x800] =	vst v63  }
0xc9: {  	_ = 	snop  }
0xca: {  	[tilespmem:s21], [sflag:$0x1] =	stream.indirect.gather [hbm4b:s3+s13], $0x1, s20, s13, $0xb8;
	[tilespmem:$0x800] =	vst v63  }
0xcb: {  	_ =	swait.ge [sflag:s22], $0x80  }
0xcc: {  	[sflag:s22] =	ssyncset.done $0x0  }
0xcd: {  	[sflag:s22] =	ssyncadd.s32 $0xFFFFFF80  }
0xce: {  	_ =	swait.ge [sflag:s22], $0x80  }
0xcf: {  	[sflag:s22] =	ssyncset.done $0x0  }
0xd0: {  	[sflag:s22] =	ssyncadd.s32 $0xFFFFFF80  }
0xd1: {  	_ =	swait.ge [sflag:s22], $0x80  }
0xd2: {  	[sflag:s22] =	ssyncset.done $0x0  }
0xd3: {  	[sflag:s22] =	ssyncadd.s32 $0xFFFFFF80  }
0xd4: {  	_ =	swait.ge [sflag:s22], $0x80  }
0xd5: {  	[sflag:s22] =	ssyncset.done $0x0  }
0xd6: {  	[sflag:s22] =	ssyncadd.s32 $0xFFFFFF80  }
0xd7: {  	[hbm4b:s4+s2] =	stream.linear.scatter [tilespmem:s15], [sflag:$0x2], $0x80, $0x38;
	[tilespmem:$0x800] =	vst v63  }
0xd8: {  	_ =	swait.ge [sflag:s11], $0x80  }
0xd9: {  	[sflag:s11] =	ssyncset.done $0x0  }
0xda: {  	[sflag:s11] =	ssyncadd.s32 $0xFFFFFF80  }
0xdb: {  	[hbm4b:s7+s2] =	stream.linear.scatter [tilespmem:s17], [sflag:$0x2], $0x80, $0x38;
	[tilespmem:$0x800] =	vst v63  }
0xdc: {  	_ =	swait.ge [sflag:s11], $0x80  }
0xdd: {  	[sflag:s11] =	ssyncset.done $0x0  }
0xde: {  	[sflag:s11] =	ssyncadd.s32 $0xFFFFFF80  }
0xdf: {  	[hbm4b:s8+s2] =	stream.linear.scatter [tilespmem:s19], [sflag:$0x2], $0x80, $0x38;
	[tilespmem:$0x800] =	vst v63  }
0xe0: {  	_ =	swait.ge [sflag:s11], $0x80  }
0xe1: {  	p0 =	sne.s32 s10, $0x1;
	[sflag:s11] =	ssyncset.done $0x0  }
.Ltmp0:
0xe2: {  	[sflag:s11] =	ssyncadd.s32 $0xFFFFFF80;
	(pc) =	sbr.rel @p0 .LBB2_1-.Ltmp0, $4  }
0xe3: {  	[hbm4b:s9+s2] =	stream.linear.scatter [tilespmem:s21], [sflag:$0x2], $0x80, $0x38;
	[tilespmem:$0x800] =	vst v63  }
0xe4: {  	_ =	swait.ge [sflag:s11], $0x80  }
0xe5: {  	[sflag:s11] =	ssyncset.done $0x0  }
0xe6: {  	s10 =	sadd.s32 $0xFFFFFFFF, s10;
	[sflag:s11] =	ssyncadd.s32 $0xFFFFFF80  }
0xe7: {  	_ =	sfence.sel $0x180000  }
0xe8: {  	[bflag:$0x0] =	sbarrier.arrive $0xFFFF  }
0xe9: {  	p0 =	sne.s32 s1, $0x0;
	_ =	strace $0x9000004A  }
0xea: {  	s0 =	sadd.s32 @!p0 $0x100000, s0;
	[bflag:$0x2] =	sbarrier.arrive $0xFFFF  }
0xeb: {  	[sflag:s0] =	ssyncadd.tile.s32 @!p0 $0x1;
	_ =	shalt  }
.Lfunc_end2:
_tile_overlayer_lowered:
.L_overlay_start_2:
0xec: {  	(tag) =	ssettag $0x2  }
0xed: {  	s0 =	rddreg [dreg:$0x0];
	s2 =	stileid.u32  }
0xee: {  	s1 =	rddreg [dreg:$0x1];
	p0 =	sne.s32 s2, $0x0  }
0xef: {  	s3 =	rddreg [dreg:$0x2];
	[bflag:$0x3] =	sbarrier.arrive $0xFFFF;
	s2 =	simm.s32 @!p0 $0x1C02  }
0xf0: {  	[timem:s3], [sflag:s2] =	dma.local @!p0 [hbm:s0], s1  }
0xf1: {  	s0 =	simm.s32 @!p0 $0x2  }
0xf2: {  	_ =	swait.ge @!p0 [sflag:s0], s1  }
0xf3: {  	s1 =	ssub.s32 @!p0 $0x0, s1;
	[sflag:s0] =	ssyncset.done @!p0 $0x0  }
0xf4: {  	[sflag:s0] =	ssyncadd.s32 @!p0 s1  }
0xf5: {  	[bflag:$0x3] =	sbarrier.arrive $0xFFFF  }
0xf6: {  	_ =	shalt  }

// kernel: sparse-core-data-format-call.cloned.1.call-start
scs
called_computation_lowered:
.L_overlay_start_0:
0x0: {  	s2 =	sld [smem:$0x3FD9]  }
0x1: {  	s3 =	sld [smem:$0x3FFE];
	_ =	sdelay $0x1  }
0x2: {  	s1 =	srdreg.scid  }
0x3: {  	s0 =	sand.u32 $0x1, s1  }
0x4: {  	s18 =	sshll.u32 s0, $0xA;
	s2 =	sadd.s32 s3, s2  }
0x5: {  	s2 =	sadd.s32 s2, s18  }
0x6: {  	[smem:$0x3FC6] =	sst s2  }
0x7: {  	_ = 	snop  }
0x8: {  	s2 =	sld [smem:$0x3FC8];
	(tm) =	ssettm $0x1  }
0x9: {  	s19 =	sld [smem:$0x3FFB];
	_ =	sdelay $0x3  }
0xa: {  	_ =	strace s19  }
0xb: {  	s3 =	sld [smem:$0x3FFC];
	_ =	sdelay $0x3  }
0xc: {  	_ =	strace s3  }
0xd: {  	s3 =	sld [smem:$0x3FFD];
	_ =	sdelay $0x3  }
0xe: {  	_ =	strace s3  }
0xf: {  	_ =	strace $0x8FFFFFFF  }
0x10: {  	s20 =	sld [smem:$0x3FDB];
	_ =	sdelay $0x1  }
0x11: {  	s4 =	simm.s32 $_scs_section_size  }
0x12: {  	s5 =	simm.s32 $_size__tile_overlayer_lowered;
	s6 =	simm.s32 $_tile_overlayer_lowered  }
0x13: {  	s23 =	simm.s32 $0x1BFF;
	s22 =	sshll.u32 s6, $0x1;
	s3 =	sadd.s32 s4, s20  }
0x14: {  	s7 =	simm.s32 $0x0;
	s21 =	sshll.u32 s5, $0x1;
	s5 =	sadd.s32 s22, s3  }
0x15: {  	[timem:s7], [sflag:s23] =	dma.local [hbm:s5], s21  }
0x16: {  	_ =	swait.ge [sflag:s23], s21  }
0x17: {  	s4 =	ssub.s32 $0x0, s21;
	[sflag:s23] =	ssyncset.done $0x0  }
0x18: {  	[sflag:s23] =	ssyncadd.s32 s4;
	_ =	sdelay $0x1  }
0x19: {  	s24 =	simm.s32 $0x1B8B  }
0x1a: {  	_ =	swait.ge [sflag:s24], $0x1  }
0x1b: {  	[sflag:s24] =	ssyncset.done $0x0  }
0x1c: {  	s26 =	simm.s32 $0x1B8E;
	s25 =	sld [smem:$0x3FFE];
	[sflag:s24] =	ssyncadd.s32 $0xFFFFFFFF  }
0x1d: {  	s27 =	simm.s32 $execute0_lowered;
	[smem:$0x3FD2] =	sst s26  }
0x1e: {  	s5 =	sshll.u32 s27, $0x1;
	_ =	strace $0x80000046;
	[dreg:$0x1] =	wrdreg $0xFFFFFFFF  }
0x1f: {  	s28 =	simm.s32 $_size_execute0_lowered;
	s3 =	sadd.s32 s3, s5;
	[dreg:$0x0] =	wrdreg $0x0  }
0x20: {  	s5 =	sshll.u32 s28, $0x1;
	[dreg:$0x2] =	wrdreg s3  }
0x21: {  	[dreg:$0x3] =	wrdreg s5  }
0x22: {  	[dreg:$0x4] =	wrdreg $0xC0  }
0x23: {  	_ =	task [dreg:s7], $0x5FFFF  }
0x24: {  	[dreg:$0x1] =	wrdreg $0xFFFFFFFF  }
0x25: {  	[dreg:$0x0] =	wrdreg $0x60  }
0x26: {  	[dreg:$0x2] =	wrdreg s2  }
0x27: {  	[dreg:$0x3] =	wrdreg s25  }
0x28: {  	[dreg:$0x4] =	wrdreg $0x9  }
0x29: {  	_ =	task.clear_ibuf [dreg:s7], $0x5FFFF;
	_ =	strace $0x90000046  }
0x2a: {  	s29 =	simm.s32 $0x9;
	_ =	strace $0x80000048  }
0x2b: {  	_ =	swait.ge [sflag:s29], $0x1  }
0x2c: {  	[sflag:s29] =	ssyncadd.s32 $0xFFFFFFFF  }
0x2d: {  	_ =	strace $0x90000048  }
0x2e: {  	_ =	sfence  }
0x2f: {  	s30 =	sld [smem:$0x0];
	_ =	sdelay $0x2  }
0x30: {  	s31 =	sshll.u32 s1, $0xD;
	s1 =	sshrl.u32 s1, $0x2  }
0x31: {  	s3 =	sand.u32 $0x4000, s31;
	s1 =	sadd.s32 s1, s30  }
0x32: {  	s0 =	sor.u32 s3, s0;
	s1 =	sshll.u32 s1, $0x11  }
0x33: {  	s0 =	sor.u32 s1, s0  }
0x34: {  	s0 =	sadd.s32 $0x8F2B, s0  }
0x35: {  	[sflag:s0] =	ssyncadd.remote.s32 $0x1  }
0x36: {  	_ =	sfence.sel $0xFFFF  }
0x37: {  	[dreg:$0x0] =	wrdreg $0xFFFFFFFF;
	(pc) =	sbr.abs _section_cstart, $3  }
0x38: {  	[dreg:$0x1] =	wrdreg $0xFFFFFFFF  }
0x39: {  	_ =	task.clear_ibuf [dreg:s7], $0x2FFFF;
	_ =	strace $0x9FFFFFFF  }
0x3a: {  	(tm) =	ssettm $0x7FFFFFFF  }
0x3b: {  	_ =	shalt  }
tec
execute0_lowered:
.L_overlay_start_1:
0x0: {  	(tag) =	ssettag $0x1  }
0x1: {  	s2 =	rddreg [dreg:$0x0]  }
0x2: {  	s1 =	rddreg [dreg:$0x1]  }
0x3: {  	s0 =	rddreg [dreg:$0x2];
	_ =	strace $0x80000047;
	s4 =	srdreg.scid  }
0x4: {  	s6 =	simm.s32 $0x2;
	s11 =	simm.s32 $0x0;
	p0 =	por $0x0, $0x0  }
.Ltmp0:
0x5: {  	s7 =	simm.s32 $0x1000;
	s12 =	simm.s32 $0x0;
	(pc) =	sbr.rel .LBB1_1-.Ltmp0, $4  }
0x6: {  	s9 =	simm.s32 $0x0;
	s3 =	sadd.s32 $0xC00, s1;
	s5 =	sshll.u32 s4, $0x4  }
0x7: {  	s1 =	stileid.u32;
	s4 =	simm.s32 $0x1;
	s5 =	sand.u32 $0x10, s5  }
0x8: {  	s8 =	simm.s32 $0x0;
	[sflag:s4] =	ssyncpa.u1 $0x0;
	s5 =	sor.u32 s1, s5  }
0x9: {  	[sflag:s6] =	ssyncpa.u1 $0x0;
	s6 =	simm.s32 $0x800;
	s10 =	smov.u32 s5  }
.LBB1_7:
0xa: {  	s13 =	sadd.s32 $0x10, s9  }
0xb: {  	s11 =	sadd.s32 $0x20, s10;
	s15 =	smov.u32 s10;
	p2 =	sgt.s32 s13, $0x1F  }
0xc: {  	p1 =	slt.u32 s8, $0x2;
	s15 =	smov.u32 @p2 s11  }
0xd: {  	s8 =	sadd.s32 $0x1, s8;
	s13 =	simm.s32 @p2 $0x0;
	p2 =	sgt.s32 s15, $0x1FF  }
0xe: {  	s15 =	smov.u32 @p2 s5;
	p2 =	sne.s32 s8, $0x22  }
.Ltmp1:
0xf: {  	_ = 	snop;
	(pc) =	sbr.rel @!p2 .LBB1_8-.Ltmp1, $4  }
0x10: {  	s14 =	simm.s32 @!p1 $0x2  }
0x11: {  	s12 =	smov.u32 s10;
	_ =	swait.ge @!p1 [sflag:s14], $0x4000  }
0x12: {  	p0 =	por !p0, !p0;
	s11 =	smov.u32 s9;
	[sflag:s14] =	ssyncset.done @!p1 $0x0  }
0x13: {  	s9 =	smov.u32 s13;
	[sflag:s14] =	ssyncadd.s32 @!p1 $0xFFFFC000;
	s10 =	smov.u32 s15  }
.LBB1_1:
0x14: {  	p1 =	sgt.u32 s8, $0x1F  }
0x15: {  	s13 =	sxor.u32 @!p1 $0xFFFFFFFF, s8;
	s14 =	sshll.u32 @!p1 s10, $0xC  }
0x16: {  	s15 =	sshll.u32 @!p1 s9, $0x7;
	s13 =	sshll.u32 @!p1 s13, $0xE;
	s14 =	sadd.s32 @!p1 s2, s14  }
0x17: {  	s13 =	sand.u32 @!p1 $0x4000, s13;
	s14 =	sadd.s32 @!p1 s15, s14;
	s15 =	simm.s32 @!p1 $0x0  }
0x18: {  	[tilespmem:s13], [sflag:$0x1] =	stream.linear.gather @!p1 [hbm4b:s14+s15], $0x4000, $0x38;
	[tilespmem:$0x10000] =	vst v63  }
0x19: {  	p1 =	seq.s32 s8, $0x0  }
0x1a: {  	p2 =	seq.s32 @!p1 s8, $0x21  }
0x1b: {  	p1 =	por p1, p2  }
.Ltmp2:
0x1c: {  	_ = 	snop;
	(pc) =	sbr.rel @p1 .LBB1_7-.Ltmp2, $1  }
0x1d: {  	_ =	sdelay $0x3  }
0x1e: {  	s13 =	simm.s32 $0x1;
	_ =	swait.ge [sflag:s4], $0x4000;
	s16 =	sshll.u32 s8, $0xE  }
0x1f: {  	s13 =	simm.s32 @!p0 $0x0;
	[sflag:s4] =	ssyncset.done $0x0;
	s31 =	sand.u32 $0x4000, s16  }
0x20: {  	s16 =	simm.s32 $0x0;
	s14 =	sshll.u32 s13, $0xE;
	[sflag:s4] =	ssyncadd.s32 $0xFFFFC000  }
0x21: {  	s13 =	sor.u32 $0x8040, s14;
	s15 =	sor.u32 $0x40, s14;
	s14 =	sor.u32 $0x8000, s31  }
.LBB1_3:
0x22: {  	v0 =	vmov s15;
	_ =	sdelay $0x3  }
0x23: {  	s18 =	simm.s32 $0x0  }
0x24: {  	v6 =	vld.idx.msk [tilespmem:v0+s18+$0x30 ss:$0x1], $0xffff  }
0x25: {  	v7 =	vld.idx.msk [tilespmem:v0+s18+$0xFFFFFFC0 ss:$0x1], $0xffff  }
0x26: {  	v5 =	vld.idx.msk [tilespmem:v0+s18+$0xFFFFFFD0 ss:$0x1], $0xffff  }
0x27: {  	v4 =	vld.idx.msk [tilespmem:v0+s18+$0xFFFFFFE0 ss:$0x1], $0xffff  }
0x28: {  	v3 =	vld.idx.msk [tilespmem:v0+s18+$0xFFFFFFF0 ss:$0x1], $0xffff  }
0x29: {  	v1 =	vld.idx.msk [tilespmem:v0+s18+$0x0 ss:$0x1], $0xffff  }
0x2a: {  	v2 =	vld.idx.msk [tilespmem:v0+s18+$0x10 ss:$0x1], $0xffff;
	[tilespmem:s13+$0x30] =	vst v6  }
0x2b: {  	s17 =	simm.s32 $0x80;
	s19 =	simm.s32 $0x400;
	[tilespmem:s13+$0xFFFFFFC0] =	vst v7;
	v6 =	vld.idx.msk [tilespmem:v0+s18+$0x20 ss:$0x1], $0xffff;
	s18 =	smov.u32 s13  }
.LBB1_4:
0x2c: {  	p1 =	sne.s32 s19, $0xE00;
	v7 =	vld.idx.msk [tilespmem:v0+s17+$0x30 ss:$0x1], $0xffff;
	[tilespmem:s18+$0xFFFFFFD0] =	vst v5  }
0x2d: {  	v8 =	vld.idx.msk [tilespmem:v0+s17+$0xFFFFFFC0 ss:$0x1], $0xffff;
	[tilespmem:s18+$0xFFFFFFE0] =	vst v4  }
0x2e: {  	v5 =	vld.idx.msk [tilespmem:v0+s17+$0xFFFFFFD0 ss:$0x1], $0xffff;
	[tilespmem:s18+$0xFFFFFFF0] =	vst v3  }
.Ltmp3:
0x2f: {  	v4 =	vld.idx.msk [tilespmem:v0+s17+$0xFFFFFFE0 ss:$0x1], $0xffff;
	[tilespmem:s18+$0x0] =	vst v1;
	(pc) =	sbr.rel @p1 .LBB1_4-.Ltmp3, $4  }
0x30: {  	v3 =	vld.idx.msk [tilespmem:v0+s17+$0xFFFFFFF0 ss:$0x1], $0xffff;
	[tilespmem:s18+$0x10] =	vst v2  }
0x31: {  	v1 =	vld.idx.msk [tilespmem:v0+s17+$0x0 ss:$0x1], $0xffff;
	[tilespmem:s18+$0x20] =	vst v6;
	s18 =	sadd.s32 $0x800, s18  }
0x32: {  	v2 =	vld.idx.msk [tilespmem:v0+s17+$0x10 ss:$0x1], $0xffff;
	[tilespmem:s18+$0x30] =	vst v7  }
0x33: {  	[tilespmem:s18+$0xFFFFFFC0] =	vst v8;
	v6 =	vld.idx.msk [tilespmem:v0+s17+$0x20 ss:$0x1], $0xffff;
	s17 =	sshra.s32 s19, $0x2;
	s19 =	sadd.s32 $0x200, s19  }
0x34: {  	_ =	sdelay $0x2  }
0x35: {  	[tilespmem:s18+$0xFFFFFFD0] =	vst v5  }
0x36: {  	v56 =	vld.idx.msk [tilespmem:v0+s17+$0x30 ss:$0x1], $0xffff;
	[tilespmem:s18+$0xFFFFFFE0] =	vst v4  }
0x37: {  	v57 =	vld.idx.msk [tilespmem:v0+s17+$0xFFFFFFC0 ss:$0x1], $0xffff;
	[tilespmem:s18+$0xFFFFFFF0] =	vst v3  }
0x38: {  	v58 =	vld.idx.msk [tilespmem:v0+s17+$0xFFFFFFD0 ss:$0x1], $0xffff;
	[tilespmem:s18+$0x0] =	vst v1  }
0x39: {  	v59 =	vld.idx.msk [tilespmem:v0+s17+$0xFFFFFFE0 ss:$0x1], $0xffff;
	[tilespmem:s18+$0x10] =	vst v2  }
0x3a: {  	v60 =	vld.idx.msk [tilespmem:v0+s17+$0xFFFFFFF0 ss:$0x1], $0xffff;
	s31 =	sadd.s32 $0x800, s18;
	[tilespmem:s18+$0x20] =	vst v6  }
0x3b: {  	v61 =	vld.idx.msk [tilespmem:v0+s17+$0x0 ss:$0x1], $0xffff;
	[tilespmem:s31+$0x30] =	vst v56  }
0x3c: {  	v62 =	vld.idx.msk [tilespmem:v0+s17+$0x10 ss:$0x1], $0xffff;
	s16 =	sadd.s32 $0x1, s16;
	[tilespmem:s31+$0xFFFFFFC0] =	vst v57  }
0x3d: {  	v63 =	vld.idx.msk [tilespmem:v0+s17+$0x20 ss:$0x1], $0xffff;
	p1 =	sne.s32 s16, $0x10;
	[tilespmem:s31+$0xFFFFFFD0] =	vst v58  }
.Ltmp4:
0x3e: {  	[tilespmem:s31+$0xFFFFFFE0] =	vst v59;
	(pc) =	sbr.rel @p1 .LBB1_3-.Ltmp4, $4  }
0x3f: {  	[tilespmem:s31+$0xFFFFFFF0] =	vst v60  }
0x40: {  	[tilespmem:s31+$0x0] =	vst v61  }
0x41: {  	[tilespmem:s31+$0x10] =	vst v62  }
0x42: {  	s13 =	sadd.s32 $0x80, s13;
	s15 =	sadd.s32 $0x400, s15;
	[tilespmem:s31+$0x20] =	vst v63  }
.Ltmp5:
0x43: {  	(pc) =	sbr.rel .LBB1_7-.Ltmp5, $4  }
0x44: {  	s12 =	sshll.u32 s12, $0xC;
	s11 =	sshll.u32 s11, $0x4  }
0x45: {  	s11 =	sand.u32 $0x1F0, s11;
	s12 =	sadd.s32 s3, s12  }
0x46: {  	s11 =	sadd.s32 s11, s12  }
0x47: {  	[hbm4b:s11+s6] =	stream.strided.scatter [tilespmem:s14], [sflag:$0x2], $0x4000, s7, s6, $0x38;
	[tilespmem:$0x10000] =	vst v63  }
.LBB1_8:
0x48: {  	_ =	sfence.sel $0x180000  }
0x49: {  	s2 =	simm.s32 $0x1;
	[bflag:$0x0] =	sbarrier.arrive $0xFFFF  }
0x4a: {  	s31 =	simm.s32 $0x2;
	[sflag:s2] =	ssyncpa.u1 $0x1  }
0x4b: {  	[sflag:s31] =	ssyncpa.u1 $0x1  }
0x4c: {  	p0 =	sne.s32 s1, $0x0;
	_ =	strace $0x90000047  }
0x4d: {  	s0 =	sadd.s32 @!p0 $0x100000, s0;
	[bflag:$0x2] =	sbarrier.arrive $0xFFFF  }
0x4e: {  	[sflag:s0] =	ssyncadd.tile.s32 @!p0 $0x1;
	_ =	shalt  }
.Lfunc_end1:
_tile_overlayer_lowered:
.L_overlay_start_2:
0x4f: {  	(tag) =	ssettag $0x2  }
0x50: {  	s0 =	rddreg [dreg:$0x0];
	s2 =	stileid.u32  }
0x51: {  	s1 =	rddreg [dreg:$0x1];
	p0 =	sne.s32 s2, $0x0  }
0x52: {  	s3 =	rddreg [dreg:$0x2];
	[bflag:$0x3] =	sbarrier.arrive $0xFFFF;
	s2 =	simm.s32 @!p0 $0x1C01  }
0x53: {  	[timem:s3], [sflag:s2] =	dma.local @!p0 [hbm:s0], s1  }
0x54: {  	s0 =	simm.s32 @!p0 $0x1  }
0x55: {  	_ =	swait.ge @!p0 [sflag:s0], s1  }
0x56: {  	s1 =	ssub.s32 @!p0 $0x0, s1;
	[sflag:s0] =	ssyncset.done @!p0 $0x0  }
0x57: {  	[sflag:s0] =	ssyncadd.s32 @!p0 s1  }
0x58: {  	[bflag:$0x3] =	sbarrier.arrive $0xFFFF  }
0x59: {  	_ =	shalt  }

</sc_bundles>
